<compile_context>
chip_gen: v7x
topology: tpu7x:2x2x1
jax: 0.10.2.dev20260603
libtpu: 0.0.44.dev20260713+nightly
codegen_flags: <defaults>
</compile_context>

<pallas_src>
import functools

import jax
import jax.numpy as jnp
from jax import lax
from jax.experimental import pallas as pl
from jax.experimental.pallas import tpu as pltpu
from jax.experimental.pallas import tpu_sc as plsc

_QB = 2048
_NC = 2
_NW = 32
_BW = 256


def _argmin_body(pos_ref, pathT_ref, idx_ref):
    pos = pos_ref[...]
    pathT = pathT_ref[...]
    m = pathT.shape[1]
    nch = m // 128
    dot2 = lax.dot_general(pos + pos, pathT, (((1,), (0,)), ((), ())),
                           preferred_element_type=jnp.float32)
    pn = jnp.sum(pos * pos, axis=-1, keepdims=True)
    qn = jnp.sum(pathT * pathT, axis=0, keepdims=True)
    t = pn + qn

    best = jnp.full((_QB, 128), jnp.inf, jnp.float32)
    bchunk = jnp.zeros((_QB, 128), jnp.int32)
    for c in range(nch):
        d2 = lax.slice(t, (0, c * 128), (_QB, (c + 1) * 128)) - \
            lax.slice(dot2, (0, c * 128), (_QB, (c + 1) * 128))
        lt = d2 < best
        best = jnp.minimum(best, d2)
        bchunk = jnp.where(lt, c, bchunk)
    gmin = jnp.min(best, axis=1, keepdims=True)
    lane = lax.broadcasted_iota(jnp.int32, (_QB, 128), 1)
    full = bchunk * 128 + lane
    idx_ref[...] = jnp.min(jnp.where(best == gmin, full, jnp.int32(m)), axis=1)


def _nearest_idx(positions, path_points, interpret=False):
    q = positions.shape[0]
    m = path_points.shape[0]
    pathT = path_points.T
    return pl.pallas_call(
        _argmin_body,
        grid=(q // _QB,),
        in_specs=[
            pl.BlockSpec((_QB, 2), lambda i: (i, 0)),
            pl.BlockSpec((2, m), lambda i: (0, 0)),
        ],
        out_specs=pl.BlockSpec((_QB,), lambda i: (i,)),
        out_shape=jax.ShapeDtypeStruct((q,), jnp.int32),
        interpret=interpret,
    )(positions, pathT)


def _sc_gather(idx2d, tables, posx, posy):
    q = posx.shape[0]
    nt = len(tables)
    mesh = plsc.VectorSubcoreMesh(core_axis_name="c", subcore_axis_name="s")

    @functools.partial(
        pl.kernel,
        out_type=tuple(jax.ShapeDtypeStruct((q,), jnp.float32)
                       for _ in range(nt + 3)),
        mesh=mesh,
        scratch_types=(
            [pltpu.VMEM((2, 128), jnp.int32)]
            + [pltpu.VMEM((_BW,), jnp.float32) for _ in range(nt + 5)]
            + [pltpu.SemaphoreType.DMA]
        ),
    )
    def body(*refs):
        idx_hbm = refs[0]
        tab_hbms = refs[1:1 + nt]
        posx_hbm, posy_hbm = refs[1 + nt], refs[2 + nt]
        out_hbms = refs[3 + nt:3 + nt + nt]
        dx_hbm, dy_hbm, pr_hbm = refs[3 + 2 * nt:6 + 2 * nt]
        idx_v = refs[6 + 2 * nt]
        g_vs = refs[7 + 2 * nt:7 + 3 * nt]
        posx_v, posy_v, dx_v, dy_v, pr_v = refs[7 + 3 * nt:12 + 3 * nt]
        sem = refs[12 + 3 * nt]

        wid = lax.axis_index("s") * _NC + lax.axis_index("c")
        base = wid * _BW
        pltpu.sync_copy(idx_hbm.at[pl.ds(wid * 2, 2)], idx_v)
        pltpu.sync_copy(posx_hbm.at[pl.ds(base, _BW)], posx_v)
        pltpu.sync_copy(posy_hbm.at[pl.ds(base, _BW)], posy_v)
        cps = []
        for c in range(2):
            h = pl.ds(c * 128, 128)
            for t in range(nt):
                cps.append(pltpu.async_copy(tab_hbms[t].at[idx_v.at[c]],
                                            g_vs[t].at[h], sem))
        for cp in cps:
            cp.wait()

        pxg_v, pyg_v, nxg_v, nyg_v = g_vs[1], g_vs[2], g_vs[5], g_vs[6]

        def step(s, carry):
            sl = pl.ds(s * 16, 16)
            dx = posx_v[sl] - pxg_v[sl]
            dy = posy_v[sl] - pyg_v[sl]
            pr = dx * nxg_v[sl] + dy * nyg_v[sl]
            dx_v[sl] = dx
            dy_v[sl] = dy
            pr_v[sl] = pr
            return carry

        lax.fori_loop(0, _BW // 16, step, 0)
        dst = pl.ds(base, _BW)
        for t in range(nt):
            pltpu.sync_copy(g_vs[t], out_hbms[t].at[dst])
        pltpu.sync_copy(dx_v, dx_hbm.at[dst])
        pltpu.sync_copy(dy_v, dy_hbm.at[dst])
        pltpu.sync_copy(pr_v, pr_hbm.at[dst])

    return body(idx2d, *tables, posx, posy)


def kernel(positions, path_points, arclengths, tangents, normals, left_widths, right_widths):
    q = positions.shape[0]
    idx = _nearest_idx(positions, path_points)
    tables = (arclengths,
              path_points[:, 0], path_points[:, 1],
              tangents[:, 0], tangents[:, 1],
              normals[:, 0], normals[:, 1],
              left_widths, right_widths)
    (r, px, py, tx, ty, nx, ny, lw, rw, dx, dy, pr) = _sc_gather(
        idx.reshape(q // 128, 128), tables,
        positions[:, 0], positions[:, 1])
    closest_point_values = jnp.concatenate([px[:, None], py[:, None]], axis=1)
    closest_point_tangents = jnp.concatenate([tx[:, None], ty[:, None]], axis=1)
    closest_point_normals = jnp.concatenate([nx[:, None], ny[:, None]], axis=1)
    deltas = jnp.concatenate([dx[:, None], dy[:, None]], axis=1)
    return (r, closest_point_values, closest_point_tangents, closest_point_normals, deltas, pr, lw, rw)

# --- scband reference (transcript-rebuilt; emitter-appended) ---
"""Pipeline reference for scband-bounds-checker-42099269435917 (READ-ONLY COPY).

The authoritative reference and input builder live on the scoring server;
editing this copy changes nothing except your own understanding.
"""

import jax, jax.numpy as jnp
import numpy as np

M = 16384
DR_SAMP = 0.5
Q = 8192


def _build_path():
    radius = DR_SAMP * M / (2.0 * np.pi)
    arclengths = (np.arange(M) * DR_SAMP).astype(np.float32)
    theta = arclengths / radius
    points = np.stack([radius * np.cos(theta), radius * np.sin(theta)], axis=-1).astype(np.float32)
    tangents = np.stack([-np.sin(theta), np.cos(theta)], axis=-1).astype(np.float32)
    normals = np.stack([-tangents[:, 1], tangents[:, 0]], axis=-1).astype(np.float32)
    return radius, arclengths, points, tangents, normals


def setup_inputs(seed: int = 0):
    key = jax.random.key(seed)
    k1, k2, k3, k4 = jax.random.split(key, 4)
    radius, arclengths, points, tangents, normals = _build_path()
    theta_q = jax.random.uniform(k1, (Q,), dtype=jnp.float32) * (2.0 * np.pi)
    rad_q = radius + 5.0 * jax.random.normal(k2, (Q,), dtype=jnp.float32)
    positions = jnp.stack([rad_q * jnp.cos(theta_q), rad_q * jnp.sin(theta_q)], axis=-1)
    left_widths = 3.0 + jax.random.uniform(k3, (M,), dtype=jnp.float32)
    right_widths = 3.0 + jax.random.uniform(k4, (M,), dtype=jnp.float32)
    return {
        "positions": positions,
        "path_points": jnp.asarray(points),
        "arclengths": jnp.asarray(arclengths),
        "tangents": jnp.asarray(tangents),
        "normals": jnp.asarray(normals),
        "left_widths": left_widths,
        "right_widths": right_widths,
    }


def reference(positions, path_points, arclengths, tangents, normals, left_widths, right_widths):
    # SimplePathHelper.closest_point_approximate with newton_iterations=0:
    # exact 1-NN over the resampled closed path (kd-tree equivalent, brute force here)
    pn = jnp.sum(positions * positions, axis=-1, keepdims=True)
    qn = jnp.sum(path_points * path_points, axis=-1)[None, :]
    d2 = pn + qn - 2.0 * (positions @ path_points.T)
    idx = jnp.argmin(d2, axis=-1)
    closest_point_r = jnp.take(arclengths, idx)
    closest_point_values = jnp.take(path_points, idx, axis=0)
    closest_point_tangents = jnp.take(tangents, idx, axis=0)
    closest_point_normals = jnp.take(normals, idx, axis=0)
    deltas = positions - closest_point_values
    normal_projections = jnp.sum(deltas * closest_point_normals, axis=-1)
    # LinearInterpolator on arclengths -> widths
    left_width_vals = jnp.interp(closest_point_r, arclengths, left_widths)
    right_width_vals = jnp.interp(closest_point_r, arclengths, right_widths)
    return (closest_point_r, closest_point_values, closest_point_tangents, closest_point_normals, deltas, normal_projections, left_width_vals, right_width_vals)

if __name__ == "__main__":
    import jax
    _d = setup_inputs()
    print(jax.jit(kernel)(*tuple(_d.values())))

</pallas_src>

<mosaic_0001>
#map = affine_map<(d0, d1) -> (0, 0)>
#map1 = affine_map<(d0, d1) -> (0)>
module attributes {stable_mosaic.version = 14 : i64} {
  func.func @body(%arg0: i32, %arg1: i32, %arg2: memref<64x128xi32, #tpu.memory_space<hbm>>, %arg3: memref<16384xf32, #tpu.memory_space<hbm>>, %arg4: memref<16384xf32, #tpu.memory_space<hbm>>, %arg5: memref<16384xf32, #tpu.memory_space<hbm>>, %arg6: memref<16384xf32, #tpu.memory_space<hbm>>, %arg7: memref<16384xf32, #tpu.memory_space<hbm>>, %arg8: memref<16384xf32, #tpu.memory_space<hbm>>, %arg9: memref<16384xf32, #tpu.memory_space<hbm>>, %arg10: memref<16384xf32, #tpu.memory_space<hbm>>, %arg11: memref<16384xf32, #tpu.memory_space<hbm>>, %arg12: memref<8192xf32, #tpu.memory_space<hbm>>, %arg13: memref<8192xf32, #tpu.memory_space<hbm>>, %arg14: memref<8192xf32, #tpu.memory_space<hbm>>, %arg15: memref<8192xf32, #tpu.memory_space<hbm>>, %arg16: memref<8192xf32, #tpu.memory_space<hbm>>, %arg17: memref<8192xf32, #tpu.memory_space<hbm>>, %arg18: memref<8192xf32, #tpu.memory_space<hbm>>, %arg19: memref<8192xf32, #tpu.memory_space<hbm>>, %arg20: memref<8192xf32, #tpu.memory_space<hbm>>, %arg21: memref<8192xf32, #tpu.memory_space<hbm>>, %arg22: memref<8192xf32, #tpu.memory_space<hbm>>, %arg23: memref<8192xf32, #tpu.memory_space<hbm>>, %arg24: memref<8192xf32, #tpu.memory_space<hbm>>, %arg25: memref<8192xf32, #tpu.memory_space<hbm>>, %arg26: memref<2x128xi32, #tpu.memory_space<vmem>>, %arg27: memref<256xf32, #tpu.memory_space<vmem>>, %arg28: memref<256xf32, #tpu.memory_space<vmem>>, %arg29: memref<256xf32, #tpu.memory_space<vmem>>, %arg30: memref<256xf32, #tpu.memory_space<vmem>>, %arg31: memref<256xf32, #tpu.memory_space<vmem>>, %arg32: memref<256xf32, #tpu.memory_space<vmem>>, %arg33: memref<256xf32, #tpu.memory_space<vmem>>, %arg34: memref<256xf32, #tpu.memory_space<vmem>>, %arg35: memref<256xf32, #tpu.memory_space<vmem>>, %arg36: memref<256xf32, #tpu.memory_space<vmem>>, %arg37: memref<256xf32, #tpu.memory_space<vmem>>, %arg38: memref<256xf32, #tpu.memory_space<vmem>>, %arg39: memref<256xf32, #tpu.memory_space<vmem>>, %arg40: memref<256xf32, #tpu.memory_space<vmem>>, %arg41: memref<!tpu.dma_semaphore, #tpu.memory_space<semaphore_mem>>) attributes {dimension_semantics = [#tpu.dimension_semantics<core_parallel>, #tpu.dimension_semantics<subcore_parallel>], iteration_bounds = array<i64: 2, 16>, scalar_prefetch = 0 : i64, scratch_operands = 16 : i64, tpu.core_type = #tpu.core_type<sc_vector_subcore>, window_params = [{transform_indices = #map}, {transform_indices = #map1}, {transform_indices = #map1}, {transform_indices = #map1}, {transform_indices = #map1}, {transform_indices = #map1}, {transform_indices = #map1}, {transform_indices = #map1}, {transform_indices = #map1}, {transform_indices = #map1}, {transform_indices = #map1}, {transform_indices = #map1}, {transform_indices = #map1}, {transform_indices = #map1}, {transform_indices = #map1}, {transform_indices = #map1}, {transform_indices = #map1}, {transform_indices = #map1}, {transform_indices = #map1}, {transform_indices = #map1}, {transform_indices = #map1}, {transform_indices = #map1}, {transform_indices = #map1}, {transform_indices = #map1}]} {
    %mul3A = arith.constant 2 : i32
    %mul3A_0 = arith.muli %arg1, %mul3A : i32
    %add3A = arith.addi %mul3A_0, %arg0 : i32
    %mul3A_1 = arith.constant 256 : i32
    %mul3A_2 = arith.muli %add3A, %mul3A_1 : i32
    %mul3A_3 = arith.constant 2 : i32
    %mul3A_4 = arith.muli %add3A, %mul3A_3 : i32
    "tpu.region"() ({
      %run_scoped3A = tpu.sem_alloc : memref<!tpu.dma_semaphore, #tpu.memory_space<semaphore_mem>>
      %dma_start3A_296 = arith.constant 0 : i32
      %dma_start3A_297 = tpu.memref_slice %arg2[%mul3A_4, %dma_start3A_296] : memref<64x128xi32, #tpu.memory_space<hbm>> -> memref<2x128xi32, #tpu.memory_space<hbm>>
      %dma_start3A_298 = arith.constant 0 : i32
      %dma_start3A_299 = tpu.memref_slice %arg2[%mul3A_4, %dma_start3A_298] : memref<64x128xi32, #tpu.memory_space<hbm>> -> memref<2x128xi32, #tpu.memory_space<hbm>>
      tpu.enqueue_dma source(%dma_start3A_299 : memref<2x128xi32, #tpu.memory_space<hbm>>) target(%arg26 : memref<2x128xi32, #tpu.memory_space<vmem>>) target_semaphore(%run_scoped3A : memref<!tpu.dma_semaphore, #tpu.memory_space<semaphore_mem>>)
      %dma_wait3A_300 = arith.constant 0 : i32
      %dma_wait3A_301 = tpu.memref_slice %arg2[%mul3A_4, %dma_wait3A_300] : memref<64x128xi32, #tpu.memory_space<hbm>> -> memref<2x128xi32, #tpu.memory_space<hbm>>
      %dma_wait3A_302 = arith.constant 0 : i32
      %dma_wait3A_303 = tpu.memref_slice %arg2[%mul3A_4, %dma_wait3A_302] : memref<64x128xi32, #tpu.memory_space<hbm>> -> memref<2x128xi32, #tpu.memory_space<hbm>>
      tpu.wait_dma2 semaphore(%run_scoped3A : memref<!tpu.dma_semaphore, #tpu.memory_space<semaphore_mem>>) src(%dma_wait3A_303 : memref<2x128xi32, #tpu.memory_space<hbm>>) dst(%arg26 : memref<2x128xi32, #tpu.memory_space<vmem>>)
      tpu.yield
    }) : () -> ()
    "tpu.region"() ({
      %run_scoped3A = tpu.sem_alloc : memref<!tpu.dma_semaphore, #tpu.memory_space<semaphore_mem>>
      %dma_start3A_296 = tpu.memref_slice %arg12[%mul3A_2] : memref<8192xf32, #tpu.memory_space<hbm>> -> memref<256xf32, #tpu.memory_space<hbm>>
      %dma_start3A_297 = tpu.memref_slice %arg12[%mul3A_2] : memref<8192xf32, #tpu.memory_space<hbm>> -> memref<256xf32, #tpu.memory_space<hbm>>
      tpu.enqueue_dma source(%dma_start3A_297 : memref<256xf32, #tpu.memory_space<hbm>>) target(%arg36 : memref<256xf32, #tpu.memory_space<vmem>>) target_semaphore(%run_scoped3A : memref<!tpu.dma_semaphore, #tpu.memory_space<semaphore_mem>>)
      %dma_wait3A_298 = tpu.memref_slice %arg12[%mul3A_2] : memref<8192xf32, #tpu.memory_space<hbm>> -> memref<256xf32, #tpu.memory_space<hbm>>
      %dma_wait3A_299 = tpu.memref_slice %arg12[%mul3A_2] : memref<8192xf32, #tpu.memory_space<hbm>> -> memref<256xf32, #tpu.memory_space<hbm>>
      tpu.wait_dma2 semaphore(%run_scoped3A : memref<!tpu.dma_semaphore, #tpu.memory_space<semaphore_mem>>) src(%dma_wait3A_299 : memref<256xf32, #tpu.memory_space<hbm>>) dst(%arg36 : memref<256xf32, #tpu.memory_space<vmem>>)
      tpu.yield
    }) : () -> ()
    "tpu.region"() ({
      %run_scoped3A = tpu.sem_alloc : memref<!tpu.dma_semaphore, #tpu.memory_space<semaphore_mem>>
      %dma_start3A_296 = tpu.memref_slice %arg13[%mul3A_2] : memref<8192xf32, #tpu.memory_space<hbm>> -> memref<256xf32, #tpu.memory_space<hbm>>
      %dma_start3A_297 = tpu.memref_slice %arg13[%mul3A_2] : memref<8192xf32, #tpu.memory_space<hbm>> -> memref<256xf32, #tpu.memory_space<hbm>>
      tpu.enqueue_dma source(%dma_start3A_297 : memref<256xf32, #tpu.memory_space<hbm>>) target(%arg37 : memref<256xf32, #tpu.memory_space<vmem>>) target_semaphore(%run_scoped3A : memref<!tpu.dma_semaphore, #tpu.memory_space<semaphore_mem>>)
      %dma_wait3A_298 = tpu.memref_slice %arg13[%mul3A_2] : memref<8192xf32, #tpu.memory_space<hbm>> -> memref<256xf32, #tpu.memory_space<hbm>>
      %dma_wait3A_299 = tpu.memref_slice %arg13[%mul3A_2] : memref<8192xf32, #tpu.memory_space<hbm>> -> memref<256xf32, #tpu.memory_space<hbm>>
      tpu.wait_dma2 semaphore(%run_scoped3A : memref<!tpu.dma_semaphore, #tpu.memory_space<semaphore_mem>>) src(%dma_wait3A_299 : memref<256xf32, #tpu.memory_space<hbm>>) dst(%arg37 : memref<256xf32, #tpu.memory_space<vmem>>)
      tpu.yield
    }) : () -> ()
    %dma_start3A = arith.constant 0 : i32
    %dma_start3A_5 = arith.constant 0 : i32
    %dma_start3A_6 = tpu.memref_slice %arg27[%dma_start3A_5] : memref<256xf32, #tpu.memory_space<vmem>> -> memref<128xf32, #tpu.memory_space<vmem>>
    %dma_start3A_7 = arith.constant 0 : i32
    %dma_start3A_8 = tpu.memref_slice %arg26[%dma_start3A, %dma_start3A_7] : memref<2x128xi32, #tpu.memory_space<vmem>> -> memref<1x128xi32, #tpu.memory_space<vmem>>
    %dma_start3A_9 = tpu.memref_squeeze %dma_start3A_8 : memref<1x128xi32, #tpu.memory_space<vmem>> -> memref<128xi32, #tpu.memory_space<vmem>>
    %dma_start3A_10 = arith.constant 0 : i32
    %dma_start3A_11 = tpu.memref_slice %arg3[%dma_start3A_10] : memref<16384xf32, #tpu.memory_space<hbm>> -> memref<16384xf32, #tpu.memory_space<hbm>>
    tpu.enqueue_indirect_dma source(%dma_start3A_11 : memref<16384xf32, #tpu.memory_space<hbm>>) target(%dma_start3A_6 : memref<128xf32, #tpu.memory_space<vmem>>) offsets(%dma_start3A_9 : memref<128xi32, #tpu.memory_space<vmem>>) semaphore(%arg41 : memref<!tpu.dma_semaphore, #tpu.memory_space<semaphore_mem>>)
    %dma_start3A_12 = arith.constant 0 : i32
    %dma_start3A_13 = arith.constant 0 : i32
    %dma_start3A_14 = tpu.memref_slice %arg28[%dma_start3A_13] : memref<256xf32, #tpu.memory_space<vmem>> -> memref<128xf32, #tpu.memory_space<vmem>>
    %dma_start3A_15 = arith.constant 0 : i32
    %dma_start3A_16 = tpu.memref_slice %arg26[%dma_start3A_12, %dma_start3A_15] : memref<2x128xi32, #tpu.memory_space<vmem>> -> memref<1x128xi32, #tpu.memory_space<vmem>>
    %dma_start3A_17 = tpu.memref_squeeze %dma_start3A_16 : memref<1x128xi32, #tpu.memory_space<vmem>> -> memref<128xi32, #tpu.memory_space<vmem>>
    %dma_start3A_18 = arith.constant 0 : i32
    %dma_start3A_19 = tpu.memref_slice %arg4[%dma_start3A_18] : memref<16384xf32, #tpu.memory_space<hbm>> -> memref<16384xf32, #tpu.memory_space<hbm>>
    tpu.enqueue_indirect_dma source(%dma_start3A_19 : memref<16384xf32, #tpu.memory_space<hbm>>) target(%dma_start3A_14 : memref<128xf32, #tpu.memory_space<vmem>>) offsets(%dma_start3A_17 : memref<128xi32, #tpu.memory_space<vmem>>) semaphore(%arg41 : memref<!tpu.dma_semaphore, #tpu.memory_space<semaphore_mem>>)
    %dma_start3A_20 = arith.constant 0 : i32
    %dma_start3A_21 = arith.constant 0 : i32
    %dma_start3A_22 = tpu.memref_slice %arg29[%dma_start3A_21] : memref<256xf32, #tpu.memory_space<vmem>> -> memref<128xf32, #tpu.memory_space<vmem>>
    %dma_start3A_23 = arith.constant 0 : i32
    %dma_start3A_24 = tpu.memref_slice %arg26[%dma_start3A_20, %dma_start3A_23] : memref<2x128xi32, #tpu.memory_space<vmem>> -> memref<1x128xi32, #tpu.memory_space<vmem>>
    %dma_start3A_25 = tpu.memref_squeeze %dma_start3A_24 : memref<1x128xi32, #tpu.memory_space<vmem>> -> memref<128xi32, #tpu.memory_space<vmem>>
    %dma_start3A_26 = arith.constant 0 : i32
    %dma_start3A_27 = tpu.memref_slice %arg5[%dma_start3A_26] : memref<16384xf32, #tpu.memory_space<hbm>> -> memref<16384xf32, #tpu.memory_space<hbm>>
    tpu.enqueue_indirect_dma source(%dma_start3A_27 : memref<16384xf32, #tpu.memory_space<hbm>>) target(%dma_start3A_22 : memref<128xf32, #tpu.memory_space<vmem>>) offsets(%dma_start3A_25 : memref<128xi32, #tpu.memory_space<vmem>>) semaphore(%arg41 : memref<!tpu.dma_semaphore, #tpu.memory_space<semaphore_mem>>)
    %dma_start3A_28 = arith.constant 0 : i32
    %dma_start3A_29 = arith.constant 0 : i32
    %dma_start3A_30 = tpu.memref_slice %arg30[%dma_start3A_29] : memref<256xf32, #tpu.memory_space<vmem>> -> memref<128xf32, #tpu.memory_space<vmem>>
    %dma_start3A_31 = arith.constant 0 : i32
    %dma_start3A_32 = tpu.memref_slice %arg26[%dma_start3A_28, %dma_start3A_31] : memref<2x128xi32, #tpu.memory_space<vmem>> -> memref<1x128xi32, #tpu.memory_space<vmem>>
    %dma_start3A_33 = tpu.memref_squeeze %dma_start3A_32 : memref<1x128xi32, #tpu.memory_space<vmem>> -> memref<128xi32, #tpu.memory_space<vmem>>
    %dma_start3A_34 = arith.constant 0 : i32
    %dma_start3A_35 = tpu.memref_slice %arg6[%dma_start3A_34] : memref<16384xf32, #tpu.memory_space<hbm>> -> memref<16384xf32, #tpu.memory_space<hbm>>
    tpu.enqueue_indirect_dma source(%dma_start3A_35 : memref<16384xf32, #tpu.memory_space<hbm>>) target(%dma_start3A_30 : memref<128xf32, #tpu.memory_space<vmem>>) offsets(%dma_start3A_33 : memref<128xi32, #tpu.memory_space<vmem>>) semaphore(%arg41 : memref<!tpu.dma_semaphore, #tpu.memory_space<semaphore_mem>>)
    %dma_start3A_36 = arith.constant 0 : i32
    %dma_start3A_37 = arith.constant 0 : i32
    %dma_start3A_38 = tpu.memref_slice %arg31[%dma_start3A_37] : memref<256xf32, #tpu.memory_space<vmem>> -> memref<128xf32, #tpu.memory_space<vmem>>
    %dma_start3A_39 = arith.constant 0 : i32
    %dma_start3A_40 = tpu.memref_slice %arg26[%dma_start3A_36, %dma_start3A_39] : memref<2x128xi32, #tpu.memory_space<vmem>> -> memref<1x128xi32, #tpu.memory_space<vmem>>
    %dma_start3A_41 = tpu.memref_squeeze %dma_start3A_40 : memref<1x128xi32, #tpu.memory_space<vmem>> -> memref<128xi32, #tpu.memory_space<vmem>>
    %dma_start3A_42 = arith.constant 0 : i32
    %dma_start3A_43 = tpu.memref_slice %arg7[%dma_start3A_42] : memref<16384xf32, #tpu.memory_space<hbm>> -> memref<16384xf32, #tpu.memory_space<hbm>>
    tpu.enqueue_indirect_dma source(%dma_start3A_43 : memref<16384xf32, #tpu.memory_space<hbm>>) target(%dma_start3A_38 : memref<128xf32, #tpu.memory_space<vmem>>) offsets(%dma_start3A_41 : memref<128xi32, #tpu.memory_space<vmem>>) semaphore(%arg41 : memref<!tpu.dma_semaphore, #tpu.memory_space<semaphore_mem>>)
    %dma_start3A_44 = arith.constant 0 : i32
    %dma_start3A_45 = arith.constant 0 : i32
    %dma_start3A_46 = tpu.memref_slice %arg32[%dma_start3A_45] : memref<256xf32, #tpu.memory_space<vmem>> -> memref<128xf32, #tpu.memory_space<vmem>>
    %dma_start3A_47 = arith.constant 0 : i32
    %dma_start3A_48 = tpu.memref_slice %arg26[%dma_start3A_44, %dma_start3A_47] : memref<2x128xi32, #tpu.memory_space<vmem>> -> memref<1x128xi32, #tpu.memory_space<vmem>>
    %dma_start3A_49 = tpu.memref_squeeze %dma_start3A_48 : memref<1x128xi32, #tpu.memory_space<vmem>> -> memref<128xi32, #tpu.memory_space<vmem>>
    %dma_start3A_50 = arith.constant 0 : i32
    %dma_start3A_51 = tpu.memref_slice %arg8[%dma_start3A_50] : memref<16384xf32, #tpu.memory_space<hbm>> -> memref<16384xf32, #tpu.memory_space<hbm>>
    tpu.enqueue_indirect_dma source(%dma_start3A_51 : memref<16384xf32, #tpu.memory_space<hbm>>) target(%dma_start3A_46 : memref<128xf32, #tpu.memory_space<vmem>>) offsets(%dma_start3A_49 : memref<128xi32, #tpu.memory_space<vmem>>) semaphore(%arg41 : memref<!tpu.dma_semaphore, #tpu.memory_space<semaphore_mem>>)
    %dma_start3A_52 = arith.constant 0 : i32
    %dma_start3A_53 = arith.constant 0 : i32
    %dma_start3A_54 = tpu.memref_slice %arg33[%dma_start3A_53] : memref<256xf32, #tpu.memory_space<vmem>> -> memref<128xf32, #tpu.memory_space<vmem>>
    %dma_start3A_55 = arith.constant 0 : i32
    %dma_start3A_56 = tpu.memref_slice %arg26[%dma_start3A_52, %dma_start3A_55] : memref<2x128xi32, #tpu.memory_space<vmem>> -> memref<1x128xi32, #tpu.memory_space<vmem>>
    %dma_start3A_57 = tpu.memref_squeeze %dma_start3A_56 : memref<1x128xi32, #tpu.memory_space<vmem>> -> memref<128xi32, #tpu.memory_space<vmem>>
    %dma_start3A_58 = arith.constant 0 : i32
    %dma_start3A_59 = tpu.memref_slice %arg9[%dma_start3A_58] : memref<16384xf32, #tpu.memory_space<hbm>> -> memref<16384xf32, #tpu.memory_space<hbm>>
    tpu.enqueue_indirect_dma source(%dma_start3A_59 : memref<16384xf32, #tpu.memory_space<hbm>>) target(%dma_start3A_54 : memref<128xf32, #tpu.memory_space<vmem>>) offsets(%dma_start3A_57 : memref<128xi32, #tpu.memory_space<vmem>>) semaphore(%arg41 : memref<!tpu.dma_semaphore, #tpu.memory_space<semaphore_mem>>)
    %dma_start3A_60 = arith.constant 0 : i32
    %dma_start3A_61 = arith.constant 0 : i32
    %dma_start3A_62 = tpu.memref_slice %arg34[%dma_start3A_61] : memref<256xf32, #tpu.memory_space<vmem>> -> memref<128xf32, #tpu.memory_space<vmem>>
    %dma_start3A_63 = arith.constant 0 : i32
    %dma_start3A_64 = tpu.memref_slice %arg26[%dma_start3A_60, %dma_start3A_63] : memref<2x128xi32, #tpu.memory_space<vmem>> -> memref<1x128xi32, #tpu.memory_space<vmem>>
    %dma_start3A_65 = tpu.memref_squeeze %dma_start3A_64 : memref<1x128xi32, #tpu.memory_space<vmem>> -> memref<128xi32, #tpu.memory_space<vmem>>
    %dma_start3A_66 = arith.constant 0 : i32
    %dma_start3A_67 = tpu.memref_slice %arg10[%dma_start3A_66] : memref<16384xf32, #tpu.memory_space<hbm>> -> memref<16384xf32, #tpu.memory_space<hbm>>
    tpu.enqueue_indirect_dma source(%dma_start3A_67 : memref<16384xf32, #tpu.memory_space<hbm>>) target(%dma_start3A_62 : memref<128xf32, #tpu.memory_space<vmem>>) offsets(%dma_start3A_65 : memref<128xi32, #tpu.memory_space<vmem>>) semaphore(%arg41 : memref<!tpu.dma_semaphore, #tpu.memory_space<semaphore_mem>>)
    %dma_start3A_68 = arith.constant 0 : i32
    %dma_start3A_69 = arith.constant 0 : i32
    %dma_start3A_70 = tpu.memref_slice %arg35[%dma_start3A_69] : memref<256xf32, #tpu.memory_space<vmem>> -> memref<128xf32, #tpu.memory_space<vmem>>
    %dma_start3A_71 = arith.constant 0 : i32
    %dma_start3A_72 = tpu.memref_slice %arg26[%dma_start3A_68, %dma_start3A_71] : memref<2x128xi32, #tpu.memory_space<vmem>> -> memref<1x128xi32, #tpu.memory_space<vmem>>
    %dma_start3A_73 = tpu.memref_squeeze %dma_start3A_72 : memref<1x128xi32, #tpu.memory_space<vmem>> -> memref<128xi32, #tpu.memory_space<vmem>>
    %dma_start3A_74 = arith.constant 0 : i32
    %dma_start3A_75 = tpu.memref_slice %arg11[%dma_start3A_74] : memref<16384xf32, #tpu.memory_space<hbm>> -> memref<16384xf32, #tpu.memory_space<hbm>>
    tpu.enqueue_indirect_dma source(%dma_start3A_75 : memref<16384xf32, #tpu.memory_space<hbm>>) target(%dma_start3A_70 : memref<128xf32, #tpu.memory_space<vmem>>) offsets(%dma_start3A_73 : memref<128xi32, #tpu.memory_space<vmem>>) semaphore(%arg41 : memref<!tpu.dma_semaphore, #tpu.memory_space<semaphore_mem>>)
    %dma_start3A_76 = arith.constant 1 : i32
    %dma_start3A_77 = arith.constant 128 : i32
    %dma_start3A_78 = tpu.memref_slice %arg27[%dma_start3A_77] : memref<256xf32, #tpu.memory_space<vmem>> -> memref<128xf32, #tpu.memory_space<vmem>>
    %dma_start3A_79 = arith.constant 0 : i32
    %dma_start3A_80 = tpu.memref_slice %arg26[%dma_start3A_76, %dma_start3A_79] : memref<2x128xi32, #tpu.memory_space<vmem>> -> memref<1x128xi32, #tpu.memory_space<vmem>>
    %dma_start3A_81 = tpu.memref_squeeze %dma_start3A_80 : memref<1x128xi32, #tpu.memory_space<vmem>> -> memref<128xi32, #tpu.memory_space<vmem>>
    %dma_start3A_82 = arith.constant 0 : i32
    %dma_start3A_83 = tpu.memref_slice %arg3[%dma_start3A_82] : memref<16384xf32, #tpu.memory_space<hbm>> -> memref<16384xf32, #tpu.memory_space<hbm>>
    tpu.enqueue_indirect_dma source(%dma_start3A_83 : memref<16384xf32, #tpu.memory_space<hbm>>) target(%dma_start3A_78 : memref<128xf32, #tpu.memory_space<vmem>>) offsets(%dma_start3A_81 : memref<128xi32, #tpu.memory_space<vmem>>) semaphore(%arg41 : memref<!tpu.dma_semaphore, #tpu.memory_space<semaphore_mem>>)
    %dma_start3A_84 = arith.constant 1 : i32
    %dma_start3A_85 = arith.constant 128 : i32
    %dma_start3A_86 = tpu.memref_slice %arg28[%dma_start3A_85] : memref<256xf32, #tpu.memory_space<vmem>> -> memref<128xf32, #tpu.memory_space<vmem>>
    %dma_start3A_87 = arith.constant 0 : i32
    %dma_start3A_88 = tpu.memref_slice %arg26[%dma_start3A_84, %dma_start3A_87] : memref<2x128xi32, #tpu.memory_space<vmem>> -> memref<1x128xi32, #tpu.memory_space<vmem>>
    %dma_start3A_89 = tpu.memref_squeeze %dma_start3A_88 : memref<1x128xi32, #tpu.memory_space<vmem>> -> memref<128xi32, #tpu.memory_space<vmem>>
    %dma_start3A_90 = arith.constant 0 : i32
    %dma_start3A_91 = tpu.memref_slice %arg4[%dma_start3A_90] : memref<16384xf32, #tpu.memory_space<hbm>> -> memref<16384xf32, #tpu.memory_space<hbm>>
    tpu.enqueue_indirect_dma source(%dma_start3A_91 : memref<16384xf32, #tpu.memory_space<hbm>>) target(%dma_start3A_86 : memref<128xf32, #tpu.memory_space<vmem>>) offsets(%dma_start3A_89 : memref<128xi32, #tpu.memory_space<vmem>>) semaphore(%arg41 : memref<!tpu.dma_semaphore, #tpu.memory_space<semaphore_mem>>)
    %dma_start3A_92 = arith.constant 1 : i32
    %dma_start3A_93 = arith.constant 128 : i32
    %dma_start3A_94 = tpu.memref_slice %arg29[%dma_start3A_93] : memref<256xf32, #tpu.memory_space<vmem>> -> memref<128xf32, #tpu.memory_space<vmem>>
    %dma_start3A_95 = arith.constant 0 : i32
    %dma_start3A_96 = tpu.memref_slice %arg26[%dma_start3A_92, %dma_start3A_95] : memref<2x128xi32, #tpu.memory_space<vmem>> -> memref<1x128xi32, #tpu.memory_space<vmem>>
    %dma_start3A_97 = tpu.memref_squeeze %dma_start3A_96 : memref<1x128xi32, #tpu.memory_space<vmem>> -> memref<128xi32, #tpu.memory_space<vmem>>
    %dma_start3A_98 = arith.constant 0 : i32
    %dma_start3A_99 = tpu.memref_slice %arg5[%dma_start3A_98] : memref<16384xf32, #tpu.memory_space<hbm>> -> memref<16384xf32, #tpu.memory_space<hbm>>
    tpu.enqueue_indirect_dma source(%dma_start3A_99 : memref<16384xf32, #tpu.memory_space<hbm>>) target(%dma_start3A_94 : memref<128xf32, #tpu.memory_space<vmem>>) offsets(%dma_start3A_97 : memref<128xi32, #tpu.memory_space<vmem>>) semaphore(%arg41 : memref<!tpu.dma_semaphore, #tpu.memory_space<semaphore_mem>>)
    %dma_start3A_100 = arith.constant 1 : i32
    %dma_start3A_101 = arith.constant 128 : i32
    %dma_start3A_102 = tpu.memref_slice %arg30[%dma_start3A_101] : memref<256xf32, #tpu.memory_space<vmem>> -> memref<128xf32, #tpu.memory_space<vmem>>
    %dma_start3A_103 = arith.constant 0 : i32
    %dma_start3A_104 = tpu.memref_slice %arg26[%dma_start3A_100, %dma_start3A_103] : memref<2x128xi32, #tpu.memory_space<vmem>> -> memref<1x128xi32, #tpu.memory_space<vmem>>
    %dma_start3A_105 = tpu.memref_squeeze %dma_start3A_104 : memref<1x128xi32, #tpu.memory_space<vmem>> -> memref<128xi32, #tpu.memory_space<vmem>>
    %dma_start3A_106 = arith.constant 0 : i32
    %dma_start3A_107 = tpu.memref_slice %arg6[%dma_start3A_106] : memref<16384xf32, #tpu.memory_space<hbm>> -> memref<16384xf32, #tpu.memory_space<hbm>>
    tpu.enqueue_indirect_dma source(%dma_start3A_107 : memref<16384xf32, #tpu.memory_space<hbm>>) target(%dma_start3A_102 : memref<128xf32, #tpu.memory_space<vmem>>) offsets(%dma_start3A_105 : memref<128xi32, #tpu.memory_space<vmem>>) semaphore(%arg41 : memref<!tpu.dma_semaphore, #tpu.memory_space<semaphore_mem>>)
    %dma_start3A_108 = arith.constant 1 : i32
    %dma_start3A_109 = arith.constant 128 : i32
    %dma_start3A_110 = tpu.memref_slice %arg31[%dma_start3A_109] : memref<256xf32, #tpu.memory_space<vmem>> -> memref<128xf32, #tpu.memory_space<vmem>>
    %dma_start3A_111 = arith.constant 0 : i32
    %dma_start3A_112 = tpu.memref_slice %arg26[%dma_start3A_108, %dma_start3A_111] : memref<2x128xi32, #tpu.memory_space<vmem>> -> memref<1x128xi32, #tpu.memory_space<vmem>>
    %dma_start3A_113 = tpu.memref_squeeze %dma_start3A_112 : memref<1x128xi32, #tpu.memory_space<vmem>> -> memref<128xi32, #tpu.memory_space<vmem>>
    %dma_start3A_114 = arith.constant 0 : i32
    %dma_start3A_115 = tpu.memref_slice %arg7[%dma_start3A_114] : memref<16384xf32, #tpu.memory_space<hbm>> -> memref<16384xf32, #tpu.memory_space<hbm>>
    tpu.enqueue_indirect_dma source(%dma_start3A_115 : memref<16384xf32, #tpu.memory_space<hbm>>) target(%dma_start3A_110 : memref<128xf32, #tpu.memory_space<vmem>>) offsets(%dma_start3A_113 : memref<128xi32, #tpu.memory_space<vmem>>) semaphore(%arg41 : memref<!tpu.dma_semaphore, #tpu.memory_space<semaphore_mem>>)
    %dma_start3A_116 = arith.constant 1 : i32
    %dma_start3A_117 = arith.constant 128 : i32
    %dma_start3A_118 = tpu.memref_slice %arg32[%dma_start3A_117] : memref<256xf32, #tpu.memory_space<vmem>> -> memref<128xf32, #tpu.memory_space<vmem>>
    %dma_start3A_119 = arith.constant 0 : i32
    %dma_start3A_120 = tpu.memref_slice %arg26[%dma_start3A_116, %dma_start3A_119] : memref<2x128xi32, #tpu.memory_space<vmem>> -> memref<1x128xi32, #tpu.memory_space<vmem>>
    %dma_start3A_121 = tpu.memref_squeeze %dma_start3A_120 : memref<1x128xi32, #tpu.memory_space<vmem>> -> memref<128xi32, #tpu.memory_space<vmem>>
    %dma_start3A_122 = arith.constant 0 : i32
    %dma_start3A_123 = tpu.memref_slice %arg8[%dma_start3A_122] : memref<16384xf32, #tpu.memory_space<hbm>> -> memref<16384xf32, #tpu.memory_space<hbm>>
    tpu.enqueue_indirect_dma source(%dma_start3A_123 : memref<16384xf32, #tpu.memory_space<hbm>>) target(%dma_start3A_118 : memref<128xf32, #tpu.memory_space<vmem>>) offsets(%dma_start3A_121 : memref<128xi32, #tpu.memory_space<vmem>>) semaphore(%arg41 : memref<!tpu.dma_semaphore, #tpu.memory_space<semaphore_mem>>)
    %dma_start3A_124 = arith.constant 1 : i32
    %dma_start3A_125 = arith.constant 128 : i32
    %dma_start3A_126 = tpu.memref_slice %arg33[%dma_start3A_125] : memref<256xf32, #tpu.memory_space<vmem>> -> memref<128xf32, #tpu.memory_space<vmem>>
    %dma_start3A_127 = arith.constant 0 : i32
    %dma_start3A_128 = tpu.memref_slice %arg26[%dma_start3A_124, %dma_start3A_127] : memref<2x128xi32, #tpu.memory_space<vmem>> -> memref<1x128xi32, #tpu.memory_space<vmem>>
    %dma_start3A_129 = tpu.memref_squeeze %dma_start3A_128 : memref<1x128xi32, #tpu.memory_space<vmem>> -> memref<128xi32, #tpu.memory_space<vmem>>
    %dma_start3A_130 = arith.constant 0 : i32
    %dma_start3A_131 = tpu.memref_slice %arg9[%dma_start3A_130] : memref<16384xf32, #tpu.memory_space<hbm>> -> memref<16384xf32, #tpu.memory_space<hbm>>
    tpu.enqueue_indirect_dma source(%dma_start3A_131 : memref<16384xf32, #tpu.memory_space<hbm>>) target(%dma_start3A_126 : memref<128xf32, #tpu.memory_space<vmem>>) offsets(%dma_start3A_129 : memref<128xi32, #tpu.memory_space<vmem>>) semaphore(%arg41 : memref<!tpu.dma_semaphore, #tpu.memory_space<semaphore_mem>>)
    %dma_start3A_132 = arith.constant 1 : i32
    %dma_start3A_133 = arith.constant 128 : i32
    %dma_start3A_134 = tpu.memref_slice %arg34[%dma_start3A_133] : memref<256xf32, #tpu.memory_space<vmem>> -> memref<128xf32, #tpu.memory_space<vmem>>
    %dma_start3A_135 = arith.constant 0 : i32
    %dma_start3A_136 = tpu.memref_slice %arg26[%dma_start3A_132, %dma_start3A_135] : memref<2x128xi32, #tpu.memory_space<vmem>> -> memref<1x128xi32, #tpu.memory_space<vmem>>
    %dma_start3A_137 = tpu.memref_squeeze %dma_start3A_136 : memref<1x128xi32, #tpu.memory_space<vmem>> -> memref<128xi32, #tpu.memory_space<vmem>>
    %dma_start3A_138 = arith.constant 0 : i32
    %dma_start3A_139 = tpu.memref_slice %arg10[%dma_start3A_138] : memref<16384xf32, #tpu.memory_space<hbm>> -> memref<16384xf32, #tpu.memory_space<hbm>>
    tpu.enqueue_indirect_dma source(%dma_start3A_139 : memref<16384xf32, #tpu.memory_space<hbm>>) target(%dma_start3A_134 : memref<128xf32, #tpu.memory_space<vmem>>) offsets(%dma_start3A_137 : memref<128xi32, #tpu.memory_space<vmem>>) semaphore(%arg41 : memref<!tpu.dma_semaphore, #tpu.memory_space<semaphore_mem>>)
    %dma_start3A_140 = arith.constant 1 : i32
    %dma_start3A_141 = arith.constant 128 : i32
    %dma_start3A_142 = tpu.memref_slice %arg35[%dma_start3A_141] : memref<256xf32, #tpu.memory_space<vmem>> -> memref<128xf32, #tpu.memory_space<vmem>>
    %dma_start3A_143 = arith.constant 0 : i32
    %dma_start3A_144 = tpu.memref_slice %arg26[%dma_start3A_140, %dma_start3A_143] : memref<2x128xi32, #tpu.memory_space<vmem>> -> memref<1x128xi32, #tpu.memory_space<vmem>>
    %dma_start3A_145 = tpu.memref_squeeze %dma_start3A_144 : memref<1x128xi32, #tpu.memory_space<vmem>> -> memref<128xi32, #tpu.memory_space<vmem>>
    %dma_start3A_146 = arith.constant 0 : i32
    %dma_start3A_147 = tpu.memref_slice %arg11[%dma_start3A_146] : memref<16384xf32, #tpu.memory_space<hbm>> -> memref<16384xf32, #tpu.memory_space<hbm>>
    tpu.enqueue_indirect_dma source(%dma_start3A_147 : memref<16384xf32, #tpu.memory_space<hbm>>) target(%dma_start3A_142 : memref<128xf32, #tpu.memory_space<vmem>>) offsets(%dma_start3A_145 : memref<128xi32, #tpu.memory_space<vmem>>) semaphore(%arg41 : memref<!tpu.dma_semaphore, #tpu.memory_space<semaphore_mem>>)
    %dma_wait3A = arith.constant 0 : i32
    %dma_wait3A_148 = arith.constant 0 : i32
    %dma_wait3A_149 = tpu.memref_slice %arg27[%dma_wait3A_148] : memref<256xf32, #tpu.memory_space<vmem>> -> memref<128xf32, #tpu.memory_space<vmem>>
    %dma_wait3A_150 = arith.constant 0 : i32
    %dma_wait3A_151 = tpu.memref_slice %arg26[%dma_wait3A, %dma_wait3A_150] : memref<2x128xi32, #tpu.memory_space<vmem>> -> memref<1x128xi32, #tpu.memory_space<vmem>>
    %dma_wait3A_152 = tpu.memref_squeeze %dma_wait3A_151 : memref<1x128xi32, #tpu.memory_space<vmem>> -> memref<128xi32, #tpu.memory_space<vmem>>
    %dma_wait3A_153 = arith.constant 0 : i32
    %dma_wait3A_154 = tpu.memref_slice %arg3[%dma_wait3A_153] : memref<16384xf32, #tpu.memory_space<hbm>> -> memref<16384xf32, #tpu.memory_space<hbm>>
    tpu.wait_indirect_dma semaphore(%arg41 : memref<!tpu.dma_semaphore, #tpu.memory_space<semaphore_mem>>) src(%dma_wait3A_154 : memref<16384xf32, #tpu.memory_space<hbm>>) dst(%dma_wait3A_149 : memref<128xf32, #tpu.memory_space<vmem>>)
    %dma_wait3A_155 = arith.constant 0 : i32
    %dma_wait3A_156 = arith.constant 0 : i32
    %dma_wait3A_157 = tpu.memref_slice %arg28[%dma_wait3A_156] : memref<256xf32, #tpu.memory_space<vmem>> -> memref<128xf32, #tpu.memory_space<vmem>>
    %dma_wait3A_158 = arith.constant 0 : i32
    %dma_wait3A_159 = tpu.memref_slice %arg26[%dma_wait3A_155, %dma_wait3A_158] : memref<2x128xi32, #tpu.memory_space<vmem>> -> memref<1x128xi32, #tpu.memory_space<vmem>>
    %dma_wait3A_160 = tpu.memref_squeeze %dma_wait3A_159 : memref<1x128xi32, #tpu.memory_space<vmem>> -> memref<128xi32, #tpu.memory_space<vmem>>
    %dma_wait3A_161 = arith.constant 0 : i32
    %dma_wait3A_162 = tpu.memref_slice %arg4[%dma_wait3A_161] : memref<16384xf32, #tpu.memory_space<hbm>> -> memref<16384xf32, #tpu.memory_space<hbm>>
    tpu.wait_indirect_dma semaphore(%arg41 : memref<!tpu.dma_semaphore, #tpu.memory_space<semaphore_mem>>) src(%dma_wait3A_162 : memref<16384xf32, #tpu.memory_space<hbm>>) dst(%dma_wait3A_157 : memref<128xf32, #tpu.memory_space<vmem>>)
    %dma_wait3A_163 = arith.constant 0 : i32
    %dma_wait3A_164 = arith.constant 0 : i32
    %dma_wait3A_165 = tpu.memref_slice %arg29[%dma_wait3A_164] : memref<256xf32, #tpu.memory_space<vmem>> -> memref<128xf32, #tpu.memory_space<vmem>>
    %dma_wait3A_166 = arith.constant 0 : i32
    %dma_wait3A_167 = tpu.memref_slice %arg26[%dma_wait3A_163, %dma_wait3A_166] : memref<2x128xi32, #tpu.memory_space<vmem>> -> memref<1x128xi32, #tpu.memory_space<vmem>>
    %dma_wait3A_168 = tpu.memref_squeeze %dma_wait3A_167 : memref<1x128xi32, #tpu.memory_space<vmem>> -> memref<128xi32, #tpu.memory_space<vmem>>
    %dma_wait3A_169 = arith.constant 0 : i32
    %dma_wait3A_170 = tpu.memref_slice %arg5[%dma_wait3A_169] : memref<16384xf32, #tpu.memory_space<hbm>> -> memref<16384xf32, #tpu.memory_space<hbm>>
    tpu.wait_indirect_dma semaphore(%arg41 : memref<!tpu.dma_semaphore, #tpu.memory_space<semaphore_mem>>) src(%dma_wait3A_170 : memref<16384xf32, #tpu.memory_space<hbm>>) dst(%dma_wait3A_165 : memref<128xf32, #tpu.memory_space<vmem>>)
    %dma_wait3A_171 = arith.constant 0 : i32
    %dma_wait3A_172 = arith.constant 0 : i32
    %dma_wait3A_173 = tpu.memref_slice %arg30[%dma_wait3A_172] : memref<256xf32, #tpu.memory_space<vmem>> -> memref<128xf32, #tpu.memory_space<vmem>>
    %dma_wait3A_174 = arith.constant 0 : i32
    %dma_wait3A_175 = tpu.memref_slice %arg26[%dma_wait3A_171, %dma_wait3A_174] : memref<2x128xi32, #tpu.memory_space<vmem>> -> memref<1x128xi32, #tpu.memory_space<vmem>>
    %dma_wait3A_176 = tpu.memref_squeeze %dma_wait3A_175 : memref<1x128xi32, #tpu.memory_space<vmem>> -> memref<128xi32, #tpu.memory_space<vmem>>
    %dma_wait3A_177 = arith.constant 0 : i32
    %dma_wait3A_178 = tpu.memref_slice %arg6[%dma_wait3A_177] : memref<16384xf32, #tpu.memory_space<hbm>> -> memref<16384xf32, #tpu.memory_space<hbm>>
    tpu.wait_indirect_dma semaphore(%arg41 : memref<!tpu.dma_semaphore, #tpu.memory_space<semaphore_mem>>) src(%dma_wait3A_178 : memref<16384xf32, #tpu.memory_space<hbm>>) dst(%dma_wait3A_173 : memref<128xf32, #tpu.memory_space<vmem>>)
    %dma_wait3A_179 = arith.constant 0 : i32
    %dma_wait3A_180 = arith.constant 0 : i32
    %dma_wait3A_181 = tpu.memref_slice %arg31[%dma_wait3A_180] : memref<256xf32, #tpu.memory_space<vmem>> -> memref<128xf32, #tpu.memory_space<vmem>>
    %dma_wait3A_182 = arith.constant 0 : i32
    %dma_wait3A_183 = tpu.memref_slice %arg26[%dma_wait3A_179, %dma_wait3A_182] : memref<2x128xi32, #tpu.memory_space<vmem>> -> memref<1x128xi32, #tpu.memory_space<vmem>>
    %dma_wait3A_184 = tpu.memref_squeeze %dma_wait3A_183 : memref<1x128xi32, #tpu.memory_space<vmem>> -> memref<128xi32, #tpu.memory_space<vmem>>
    %dma_wait3A_185 = arith.constant 0 : i32
    %dma_wait3A_186 = tpu.memref_slice %arg7[%dma_wait3A_185] : memref<16384xf32, #tpu.memory_space<hbm>> -> memref<16384xf32, #tpu.memory_space<hbm>>
    tpu.wait_indirect_dma semaphore(%arg41 : memref<!tpu.dma_semaphore, #tpu.memory_space<semaphore_mem>>) src(%dma_wait3A_186 : memref<16384xf32, #tpu.memory_space<hbm>>) dst(%dma_wait3A_181 : memref<128xf32, #tpu.memory_space<vmem>>)
    %dma_wait3A_187 = arith.constant 0 : i32
    %dma_wait3A_188 = arith.constant 0 : i32
    %dma_wait3A_189 = tpu.memref_slice %arg32[%dma_wait3A_188] : memref<256xf32, #tpu.memory_space<vmem>> -> memref<128xf32, #tpu.memory_space<vmem>>
    %dma_wait3A_190 = arith.constant 0 : i32
    %dma_wait3A_191 = tpu.memref_slice %arg26[%dma_wait3A_187, %dma_wait3A_190] : memref<2x128xi32, #tpu.memory_space<vmem>> -> memref<1x128xi32, #tpu.memory_space<vmem>>
    %dma_wait3A_192 = tpu.memref_squeeze %dma_wait3A_191 : memref<1x128xi32, #tpu.memory_space<vmem>> -> memref<128xi32, #tpu.memory_space<vmem>>
    %dma_wait3A_193 = arith.constant 0 : i32
    %dma_wait3A_194 = tpu.memref_slice %arg8[%dma_wait3A_193] : memref<16384xf32, #tpu.memory_space<hbm>> -> memref<16384xf32, #tpu.memory_space<hbm>>
    tpu.wait_indirect_dma semaphore(%arg41 : memref<!tpu.dma_semaphore, #tpu.memory_space<semaphore_mem>>) src(%dma_wait3A_194 : memref<16384xf32, #tpu.memory_space<hbm>>) dst(%dma_wait3A_189 : memref<128xf32, #tpu.memory_space<vmem>>)
    %dma_wait3A_195 = arith.constant 0 : i32
    %dma_wait3A_196 = arith.constant 0 : i32
    %dma_wait3A_197 = tpu.memref_slice %arg33[%dma_wait3A_196] : memref<256xf32, #tpu.memory_space<vmem>> -> memref<128xf32, #tpu.memory_space<vmem>>
    %dma_wait3A_198 = arith.constant 0 : i32
    %dma_wait3A_199 = tpu.memref_slice %arg26[%dma_wait3A_195, %dma_wait3A_198] : memref<2x128xi32, #tpu.memory_space<vmem>> -> memref<1x128xi32, #tpu.memory_space<vmem>>
    %dma_wait3A_200 = tpu.memref_squeeze %dma_wait3A_199 : memref<1x128xi32, #tpu.memory_space<vmem>> -> memref<128xi32, #tpu.memory_space<vmem>>
    %dma_wait3A_201 = arith.constant 0 : i32
    %dma_wait3A_202 = tpu.memref_slice %arg9[%dma_wait3A_201] : memref<16384xf32, #tpu.memory_space<hbm>> -> memref<16384xf32, #tpu.memory_space<hbm>>
    tpu.wait_indirect_dma semaphore(%arg41 : memref<!tpu.dma_semaphore, #tpu.memory_space<semaphore_mem>>) src(%dma_wait3A_202 : memref<16384xf32, #tpu.memory_space<hbm>>) dst(%dma_wait3A_197 : memref<128xf32, #tpu.memory_space<vmem>>)
    %dma_wait3A_203 = arith.constant 0 : i32
    %dma_wait3A_204 = arith.constant 0 : i32
    %dma_wait3A_205 = tpu.memref_slice %arg34[%dma_wait3A_204] : memref<256xf32, #tpu.memory_space<vmem>> -> memref<128xf32, #tpu.memory_space<vmem>>
    %dma_wait3A_206 = arith.constant 0 : i32
    %dma_wait3A_207 = tpu.memref_slice %arg26[%dma_wait3A_203, %dma_wait3A_206] : memref<2x128xi32, #tpu.memory_space<vmem>> -> memref<1x128xi32, #tpu.memory_space<vmem>>
    %dma_wait3A_208 = tpu.memref_squeeze %dma_wait3A_207 : memref<1x128xi32, #tpu.memory_space<vmem>> -> memref<128xi32, #tpu.memory_space<vmem>>
    %dma_wait3A_209 = arith.constant 0 : i32
    %dma_wait3A_210 = tpu.memref_slice %arg10[%dma_wait3A_209] : memref<16384xf32, #tpu.memory_space<hbm>> -> memref<16384xf32, #tpu.memory_space<hbm>>
    tpu.wait_indirect_dma semaphore(%arg41 : memref<!tpu.dma_semaphore, #tpu.memory_space<semaphore_mem>>) src(%dma_wait3A_210 : memref<16384xf32, #tpu.memory_space<hbm>>) dst(%dma_wait3A_205 : memref<128xf32, #tpu.memory_space<vmem>>)
    %dma_wait3A_211 = arith.constant 0 : i32
    %dma_wait3A_212 = arith.constant 0 : i32
    %dma_wait3A_213 = tpu.memref_slice %arg35[%dma_wait3A_212] : memref<256xf32, #tpu.memory_space<vmem>> -> memref<128xf32, #tpu.memory_space<vmem>>
    %dma_wait3A_214 = arith.constant 0 : i32
    %dma_wait3A_215 = tpu.memref_slice %arg26[%dma_wait3A_211, %dma_wait3A_214] : memref<2x128xi32, #tpu.memory_space<vmem>> -> memref<1x128xi32, #tpu.memory_space<vmem>>
    %dma_wait3A_216 = tpu.memref_squeeze %dma_wait3A_215 : memref<1x128xi32, #tpu.memory_space<vmem>> -> memref<128xi32, #tpu.memory_space<vmem>>
    %dma_wait3A_217 = arith.constant 0 : i32
    %dma_wait3A_218 = tpu.memref_slice %arg11[%dma_wait3A_217] : memref<16384xf32, #tpu.memory_space<hbm>> -> memref<16384xf32, #tpu.memory_space<hbm>>
    tpu.wait_indirect_dma semaphore(%arg41 : memref<!tpu.dma_semaphore, #tpu.memory_space<semaphore_mem>>) src(%dma_wait3A_218 : memref<16384xf32, #tpu.memory_space<hbm>>) dst(%dma_wait3A_213 : memref<128xf32, #tpu.memory_space<vmem>>)
    %dma_wait3A_219 = arith.constant 1 : i32
    %dma_wait3A_220 = arith.constant 128 : i32
    %dma_wait3A_221 = tpu.memref_slice %arg27[%dma_wait3A_220] : memref<256xf32, #tpu.memory_space<vmem>> -> memref<128xf32, #tpu.memory_space<vmem>>
    %dma_wait3A_222 = arith.constant 0 : i32
    %dma_wait3A_223 = tpu.memref_slice %arg26[%dma_wait3A_219, %dma_wait3A_222] : memref<2x128xi32, #tpu.memory_space<vmem>> -> memref<1x128xi32, #tpu.memory_space<vmem>>
    %dma_wait3A_224 = tpu.memref_squeeze %dma_wait3A_223 : memref<1x128xi32, #tpu.memory_space<vmem>> -> memref<128xi32, #tpu.memory_space<vmem>>
    %dma_wait3A_225 = arith.constant 0 : i32
    %dma_wait3A_226 = tpu.memref_slice %arg3[%dma_wait3A_225] : memref<16384xf32, #tpu.memory_space<hbm>> -> memref<16384xf32, #tpu.memory_space<hbm>>
    tpu.wait_indirect_dma semaphore(%arg41 : memref<!tpu.dma_semaphore, #tpu.memory_space<semaphore_mem>>) src(%dma_wait3A_226 : memref<16384xf32, #tpu.memory_space<hbm>>) dst(%dma_wait3A_221 : memref<128xf32, #tpu.memory_space<vmem>>)
    %dma_wait3A_227 = arith.constant 1 : i32
    %dma_wait3A_228 = arith.constant 128 : i32
    %dma_wait3A_229 = tpu.memref_slice %arg28[%dma_wait3A_228] : memref<256xf32, #tpu.memory_space<vmem>> -> memref<128xf32, #tpu.memory_space<vmem>>
    %dma_wait3A_230 = arith.constant 0 : i32
    %dma_wait3A_231 = tpu.memref_slice %arg26[%dma_wait3A_227, %dma_wait3A_230] : memref<2x128xi32, #tpu.memory_space<vmem>> -> memref<1x128xi32, #tpu.memory_space<vmem>>
    %dma_wait3A_232 = tpu.memref_squeeze %dma_wait3A_231 : memref<1x128xi32, #tpu.memory_space<vmem>> -> memref<128xi32, #tpu.memory_space<vmem>>
    %dma_wait3A_233 = arith.constant 0 : i32
    %dma_wait3A_234 = tpu.memref_slice %arg4[%dma_wait3A_233] : memref<16384xf32, #tpu.memory_space<hbm>> -> memref<16384xf32, #tpu.memory_space<hbm>>
    tpu.wait_indirect_dma semaphore(%arg41 : memref<!tpu.dma_semaphore, #tpu.memory_space<semaphore_mem>>) src(%dma_wait3A_234 : memref<16384xf32, #tpu.memory_space<hbm>>) dst(%dma_wait3A_229 : memref<128xf32, #tpu.memory_space<vmem>>)
    %dma_wait3A_235 = arith.constant 1 : i32
    %dma_wait3A_236 = arith.constant 128 : i32
    %dma_wait3A_237 = tpu.memref_slice %arg29[%dma_wait3A_236] : memref<256xf32, #tpu.memory_space<vmem>> -> memref<128xf32, #tpu.memory_space<vmem>>
    %dma_wait3A_238 = arith.constant 0 : i32
    %dma_wait3A_239 = tpu.memref_slice %arg26[%dma_wait3A_235, %dma_wait3A_238] : memref<2x128xi32, #tpu.memory_space<vmem>> -> memref<1x128xi32, #tpu.memory_space<vmem>>
    %dma_wait3A_240 = tpu.memref_squeeze %dma_wait3A_239 : memref<1x128xi32, #tpu.memory_space<vmem>> -> memref<128xi32, #tpu.memory_space<vmem>>
    %dma_wait3A_241 = arith.constant 0 : i32
    %dma_wait3A_242 = tpu.memref_slice %arg5[%dma_wait3A_241] : memref<16384xf32, #tpu.memory_space<hbm>> -> memref<16384xf32, #tpu.memory_space<hbm>>
    tpu.wait_indirect_dma semaphore(%arg41 : memref<!tpu.dma_semaphore, #tpu.memory_space<semaphore_mem>>) src(%dma_wait3A_242 : memref<16384xf32, #tpu.memory_space<hbm>>) dst(%dma_wait3A_237 : memref<128xf32, #tpu.memory_space<vmem>>)
    %dma_wait3A_243 = arith.constant 1 : i32
    %dma_wait3A_244 = arith.constant 128 : i32
    %dma_wait3A_245 = tpu.memref_slice %arg30[%dma_wait3A_244] : memref<256xf32, #tpu.memory_space<vmem>> -> memref<128xf32, #tpu.memory_space<vmem>>
    %dma_wait3A_246 = arith.constant 0 : i32
    %dma_wait3A_247 = tpu.memref_slice %arg26[%dma_wait3A_243, %dma_wait3A_246] : memref<2x128xi32, #tpu.memory_space<vmem>> -> memref<1x128xi32, #tpu.memory_space<vmem>>
    %dma_wait3A_248 = tpu.memref_squeeze %dma_wait3A_247 : memref<1x128xi32, #tpu.memory_space<vmem>> -> memref<128xi32, #tpu.memory_space<vmem>>
    %dma_wait3A_249 = arith.constant 0 : i32
    %dma_wait3A_250 = tpu.memref_slice %arg6[%dma_wait3A_249] : memref<16384xf32, #tpu.memory_space<hbm>> -> memref<16384xf32, #tpu.memory_space<hbm>>
    tpu.wait_indirect_dma semaphore(%arg41 : memref<!tpu.dma_semaphore, #tpu.memory_space<semaphore_mem>>) src(%dma_wait3A_250 : memref<16384xf32, #tpu.memory_space<hbm>>) dst(%dma_wait3A_245 : memref<128xf32, #tpu.memory_space<vmem>>)
    %dma_wait3A_251 = arith.constant 1 : i32
    %dma_wait3A_252 = arith.constant 128 : i32
    %dma_wait3A_253 = tpu.memref_slice %arg31[%dma_wait3A_252] : memref<256xf32, #tpu.memory_space<vmem>> -> memref<128xf32, #tpu.memory_space<vmem>>
    %dma_wait3A_254 = arith.constant 0 : i32
    %dma_wait3A_255 = tpu.memref_slice %arg26[%dma_wait3A_251, %dma_wait3A_254] : memref<2x128xi32, #tpu.memory_space<vmem>> -> memref<1x128xi32, #tpu.memory_space<vmem>>
    %dma_wait3A_256 = tpu.memref_squeeze %dma_wait3A_255 : memref<1x128xi32, #tpu.memory_space<vmem>> -> memref<128xi32, #tpu.memory_space<vmem>>
    %dma_wait3A_257 = arith.constant 0 : i32
    %dma_wait3A_258 = tpu.memref_slice %arg7[%dma_wait3A_257] : memref<16384xf32, #tpu.memory_space<hbm>> -> memref<16384xf32, #tpu.memory_space<hbm>>
    tpu.wait_indirect_dma semaphore(%arg41 : memref<!tpu.dma_semaphore, #tpu.memory_space<semaphore_mem>>) src(%dma_wait3A_258 : memref<16384xf32, #tpu.memory_space<hbm>>) dst(%dma_wait3A_253 : memref<128xf32, #tpu.memory_space<vmem>>)
    %dma_wait3A_259 = arith.constant 1 : i32
    %dma_wait3A_260 = arith.constant 128 : i32
    %dma_wait3A_261 = tpu.memref_slice %arg32[%dma_wait3A_260] : memref<256xf32, #tpu.memory_space<vmem>> -> memref<128xf32, #tpu.memory_space<vmem>>
    %dma_wait3A_262 = arith.constant 0 : i32
    %dma_wait3A_263 = tpu.memref_slice %arg26[%dma_wait3A_259, %dma_wait3A_262] : memref<2x128xi32, #tpu.memory_space<vmem>> -> memref<1x128xi32, #tpu.memory_space<vmem>>
    %dma_wait3A_264 = tpu.memref_squeeze %dma_wait3A_263 : memref<1x128xi32, #tpu.memory_space<vmem>> -> memref<128xi32, #tpu.memory_space<vmem>>
    %dma_wait3A_265 = arith.constant 0 : i32
    %dma_wait3A_266 = tpu.memref_slice %arg8[%dma_wait3A_265] : memref<16384xf32, #tpu.memory_space<hbm>> -> memref<16384xf32, #tpu.memory_space<hbm>>
    tpu.wait_indirect_dma semaphore(%arg41 : memref<!tpu.dma_semaphore, #tpu.memory_space<semaphore_mem>>) src(%dma_wait3A_266 : memref<16384xf32, #tpu.memory_space<hbm>>) dst(%dma_wait3A_261 : memref<128xf32, #tpu.memory_space<vmem>>)
    %dma_wait3A_267 = arith.constant 1 : i32
    %dma_wait3A_268 = arith.constant 128 : i32
    %dma_wait3A_269 = tpu.memref_slice %arg33[%dma_wait3A_268] : memref<256xf32, #tpu.memory_space<vmem>> -> memref<128xf32, #tpu.memory_space<vmem>>
    %dma_wait3A_270 = arith.constant 0 : i32
    %dma_wait3A_271 = tpu.memref_slice %arg26[%dma_wait3A_267, %dma_wait3A_270] : memref<2x128xi32, #tpu.memory_space<vmem>> -> memref<1x128xi32, #tpu.memory_space<vmem>>
    %dma_wait3A_272 = tpu.memref_squeeze %dma_wait3A_271 : memref<1x128xi32, #tpu.memory_space<vmem>> -> memref<128xi32, #tpu.memory_space<vmem>>
    %dma_wait3A_273 = arith.constant 0 : i32
    %dma_wait3A_274 = tpu.memref_slice %arg9[%dma_wait3A_273] : memref<16384xf32, #tpu.memory_space<hbm>> -> memref<16384xf32, #tpu.memory_space<hbm>>
    tpu.wait_indirect_dma semaphore(%arg41 : memref<!tpu.dma_semaphore, #tpu.memory_space<semaphore_mem>>) src(%dma_wait3A_274 : memref<16384xf32, #tpu.memory_space<hbm>>) dst(%dma_wait3A_269 : memref<128xf32, #tpu.memory_space<vmem>>)
    %dma_wait3A_275 = arith.constant 1 : i32
    %dma_wait3A_276 = arith.constant 128 : i32
    %dma_wait3A_277 = tpu.memref_slice %arg34[%dma_wait3A_276] : memref<256xf32, #tpu.memory_space<vmem>> -> memref<128xf32, #tpu.memory_space<vmem>>
    %dma_wait3A_278 = arith.constant 0 : i32
    %dma_wait3A_279 = tpu.memref_slice %arg26[%dma_wait3A_275, %dma_wait3A_278] : memref<2x128xi32, #tpu.memory_space<vmem>> -> memref<1x128xi32, #tpu.memory_space<vmem>>
    %dma_wait3A_280 = tpu.memref_squeeze %dma_wait3A_279 : memref<1x128xi32, #tpu.memory_space<vmem>> -> memref<128xi32, #tpu.memory_space<vmem>>
    %dma_wait3A_281 = arith.constant 0 : i32
    %dma_wait3A_282 = tpu.memref_slice %arg10[%dma_wait3A_281] : memref<16384xf32, #tpu.memory_space<hbm>> -> memref<16384xf32, #tpu.memory_space<hbm>>
    tpu.wait_indirect_dma semaphore(%arg41 : memref<!tpu.dma_semaphore, #tpu.memory_space<semaphore_mem>>) src(%dma_wait3A_282 : memref<16384xf32, #tpu.memory_space<hbm>>) dst(%dma_wait3A_277 : memref<128xf32, #tpu.memory_space<vmem>>)
    %dma_wait3A_283 = arith.constant 1 : i32
    %dma_wait3A_284 = arith.constant 128 : i32
    %dma_wait3A_285 = tpu.memref_slice %arg35[%dma_wait3A_284] : memref<256xf32, #tpu.memory_space<vmem>> -> memref<128xf32, #tpu.memory_space<vmem>>
    %dma_wait3A_286 = arith.constant 0 : i32
    %dma_wait3A_287 = tpu.memref_slice %arg26[%dma_wait3A_283, %dma_wait3A_286] : memref<2x128xi32, #tpu.memory_space<vmem>> -> memref<1x128xi32, #tpu.memory_space<vmem>>
    %dma_wait3A_288 = tpu.memref_squeeze %dma_wait3A_287 : memref<1x128xi32, #tpu.memory_space<vmem>> -> memref<128xi32, #tpu.memory_space<vmem>>
    %dma_wait3A_289 = arith.constant 0 : i32
    %dma_wait3A_290 = tpu.memref_slice %arg11[%dma_wait3A_289] : memref<16384xf32, #tpu.memory_space<hbm>> -> memref<16384xf32, #tpu.memory_space<hbm>>
    tpu.wait_indirect_dma semaphore(%arg41 : memref<!tpu.dma_semaphore, #tpu.memory_space<semaphore_mem>>) src(%dma_wait3A_290 : memref<16384xf32, #tpu.memory_space<hbm>>) dst(%dma_wait3A_285 : memref<128xf32, #tpu.memory_space<vmem>>)
    %scan3A = arith.constant 0 : i32
    %scan3A_291 = arith.constant 0 : i32
    %scan3A_292 = arith.constant 16 : i32
    %scan3A_293 = arith.addi %scan3A_291, %scan3A_292 : i32
    %scan3A_294 = arith.constant 1 : i32
    scf.for %scan3A_296 = %scan3A_291 to %scan3A_293 step %scan3A_294  : i32 {
      %mul3A_297 = arith.constant 16 : i32
      %mul3A_298 = arith.muli %scan3A_296, %mul3A_297 : i32
      %get3A = arith.index_cast %mul3A_298 : i32 to index
      %get3A_299 = tpu.vector_load %arg36[%get3A] {strides = array<i32>} : memref<256xf32, #tpu.memory_space<vmem>>, vector<16xf32>,
      %get3A_300 = vector.shape_cast %get3A_299 : vector<16xf32> to vector<16xf32>
      %get3A_301 = arith.index_cast %mul3A_298 : i32 to index
      %get3A_302 = tpu.vector_load %arg28[%get3A_301] {strides = array<i32>} : memref<256xf32, #tpu.memory_space<vmem>>, vector<16xf32>,
      %get3A_303 = vector.shape_cast %get3A_302 : vector<16xf32> to vector<16xf32>
      %sub3A = arith.subf %get3A_300, %get3A_303 : vector<16xf32>
      %get3A_304 = arith.index_cast %mul3A_298 : i32 to index
      %get3A_305 = tpu.vector_load %arg37[%get3A_304] {strides = array<i32>} : memref<256xf32, #tpu.memory_space<vmem>>, vector<16xf32>,
      %get3A_306 = vector.shape_cast %get3A_305 : vector<16xf32> to vector<16xf32>
      %get3A_307 = arith.index_cast %mul3A_298 : i32 to index
      %get3A_308 = tpu.vector_load %arg29[%get3A_307] {strides = array<i32>} : memref<256xf32, #tpu.memory_space<vmem>>, vector<16xf32>,
      %get3A_309 = vector.shape_cast %get3A_308 : vector<16xf32> to vector<16xf32>
      %sub3A_310 = arith.subf %get3A_306, %get3A_309 : vector<16xf32>
      %get3A_311 = arith.index_cast %mul3A_298 : i32 to index
      %get3A_312 = tpu.vector_load %arg32[%get3A_311] {strides = array<i32>} : memref<256xf32, #tpu.memory_space<vmem>>, vector<16xf32>,
      %get3A_313 = vector.shape_cast %get3A_312 : vector<16xf32> to vector<16xf32>
      %mul3A_314 = arith.mulf %sub3A, %get3A_313 : vector<16xf32>
      %get3A_315 = arith.index_cast %mul3A_298 : i32 to index
      %get3A_316 = tpu.vector_load %arg33[%get3A_315] {strides = array<i32>} : memref<256xf32, #tpu.memory_space<vmem>>, vector<16xf32>,
      %get3A_317 = vector.shape_cast %get3A_316 : vector<16xf32> to vector<16xf32>
      %mul3A_318 = arith.mulf %sub3A_310, %get3A_317 : vector<16xf32>
      %add3A_319 = arith.addf %mul3A_314, %mul3A_318 : vector<16xf32>
      %swap3A = arith.index_cast %mul3A_298 : i32 to index
      %swap3A_320 = tpu.vector_load %arg38[%swap3A] {strides = array<i32>} : memref<256xf32, #tpu.memory_space<vmem>>, vector<16xf32>,
      %swap3A_321 = vector.shape_cast %swap3A_320 : vector<16xf32> to vector<16xf32>
      %swap3A_322 = vector.shape_cast %sub3A : vector<16xf32> to vector<16xf32>
      tpu.vector_store %arg38[%swap3A], %swap3A_322 {strides = array<i32>} : memref<256xf32, #tpu.memory_space<vmem>>, vector<16xf32>,
      %swap3A_323 = arith.index_cast %mul3A_298 : i32 to index
      %swap3A_324 = tpu.vector_load %arg39[%swap3A_323] {strides = array<i32>} : memref<256xf32, #tpu.memory_space<vmem>>, vector<16xf32>,
      %swap3A_325 = vector.shape_cast %swap3A_324 : vector<16xf32> to vector<16xf32>
      %swap3A_326 = vector.shape_cast %sub3A_310 : vector<16xf32> to vector<16xf32>
      tpu.vector_store %arg39[%swap3A_323], %swap3A_326 {strides = array<i32>} : memref<256xf32, #tpu.memory_space<vmem>>, vector<16xf32>,
      %swap3A_327 = arith.index_cast %mul3A_298 : i32 to index
      %swap3A_328 = tpu.vector_load %arg40[%swap3A_327] {strides = array<i32>} : memref<256xf32, #tpu.memory_space<vmem>>, vector<16xf32>,
      %swap3A_329 = vector.shape_cast %swap3A_328 : vector<16xf32> to vector<16xf32>
      %swap3A_330 = vector.shape_cast %add3A_319 : vector<16xf32> to vector<16xf32>
      tpu.vector_store %arg40[%swap3A_327], %swap3A_330 {strides = array<i32>} : memref<256xf32, #tpu.memory_space<vmem>>, vector<16xf32>,
    }
    %scan3A_295 = arith.constant 16 : i32
    "tpu.region"() ({
      %run_scoped3A = tpu.sem_alloc : memref<!tpu.dma_semaphore, #tpu.memory_space<semaphore_mem>>
      %dma_start3A_296 = tpu.memref_slice %arg14[%mul3A_2] : memref<8192xf32, #tpu.memory_space<hbm>> -> memref<256xf32, #tpu.memory_space<hbm>>
      %dma_start3A_297 = tpu.memref_slice %arg14[%mul3A_2] : memref<8192xf32, #tpu.memory_space<hbm>> -> memref<256xf32, #tpu.memory_space<hbm>>
      tpu.enqueue_dma source(%arg27 : memref<256xf32, #tpu.memory_space<vmem>>) target(%dma_start3A_297 : memref<256xf32, #tpu.memory_space<hbm>>) target_semaphore(%run_scoped3A : memref<!tpu.dma_semaphore, #tpu.memory_space<semaphore_mem>>)
      %dma_wait3A_298 = tpu.memref_slice %arg14[%mul3A_2] : memref<8192xf32, #tpu.memory_space<hbm>> -> memref<256xf32, #tpu.memory_space<hbm>>
      %dma_wait3A_299 = tpu.memref_slice %arg14[%mul3A_2] : memref<8192xf32, #tpu.memory_space<hbm>> -> memref<256xf32, #tpu.memory_space<hbm>>
      tpu.wait_dma2 semaphore(%run_scoped3A : memref<!tpu.dma_semaphore, #tpu.memory_space<semaphore_mem>>) src(%arg27 : memref<256xf32, #tpu.memory_space<vmem>>) dst(%dma_wait3A_299 : memref<256xf32, #tpu.memory_space<hbm>>)
      tpu.yield
    }) : () -> ()
    "tpu.region"() ({
      %run_scoped3A = tpu.sem_alloc : memref<!tpu.dma_semaphore, #tpu.memory_space<semaphore_mem>>
      %dma_start3A_296 = tpu.memref_slice %arg15[%mul3A_2] : memref<8192xf32, #tpu.memory_space<hbm>> -> memref<256xf32, #tpu.memory_space<hbm>>
      %dma_start3A_297 = tpu.memref_slice %arg15[%mul3A_2] : memref<8192xf32, #tpu.memory_space<hbm>> -> memref<256xf32, #tpu.memory_space<hbm>>
      tpu.enqueue_dma source(%arg28 : memref<256xf32, #tpu.memory_space<vmem>>) target(%dma_start3A_297 : memref<256xf32, #tpu.memory_space<hbm>>) target_semaphore(%run_scoped3A : memref<!tpu.dma_semaphore, #tpu.memory_space<semaphore_mem>>)
      %dma_wait3A_298 = tpu.memref_slice %arg15[%mul3A_2] : memref<8192xf32, #tpu.memory_space<hbm>> -> memref<256xf32, #tpu.memory_space<hbm>>
      %dma_wait3A_299 = tpu.memref_slice %arg15[%mul3A_2] : memref<8192xf32, #tpu.memory_space<hbm>> -> memref<256xf32, #tpu.memory_space<hbm>>
      tpu.wait_dma2 semaphore(%run_scoped3A : memref<!tpu.dma_semaphore, #tpu.memory_space<semaphore_mem>>) src(%arg28 : memref<256xf32, #tpu.memory_space<vmem>>) dst(%dma_wait3A_299 : memref<256xf32, #tpu.memory_space<hbm>>)
      tpu.yield
    }) : () -> ()
    "tpu.region"() ({
      %run_scoped3A = tpu.sem_alloc : memref<!tpu.dma_semaphore, #tpu.memory_space<semaphore_mem>>
      %dma_start3A_296 = tpu.memref_slice %arg16[%mul3A_2] : memref<8192xf32, #tpu.memory_space<hbm>> -> memref<256xf32, #tpu.memory_space<hbm>>
      %dma_start3A_297 = tpu.memref_slice %arg16[%mul3A_2] : memref<8192xf32, #tpu.memory_space<hbm>> -> memref<256xf32, #tpu.memory_space<hbm>>
      tpu.enqueue_dma source(%arg29 : memref<256xf32, #tpu.memory_space<vmem>>) target(%dma_start3A_297 : memref<256xf32, #tpu.memory_space<hbm>>) target_semaphore(%run_scoped3A : memref<!tpu.dma_semaphore, #tpu.memory_space<semaphore_mem>>)
      %dma_wait3A_298 = tpu.memref_slice %arg16[%mul3A_2] : memref<8192xf32, #tpu.memory_space<hbm>> -> memref<256xf32, #tpu.memory_space<hbm>>
      %dma_wait3A_299 = tpu.memref_slice %arg16[%mul3A_2] : memref<8192xf32, #tpu.memory_space<hbm>> -> memref<256xf32, #tpu.memory_space<hbm>>
      tpu.wait_dma2 semaphore(%run_scoped3A : memref<!tpu.dma_semaphore, #tpu.memory_space<semaphore_mem>>) src(%arg29 : memref<256xf32, #tpu.memory_space<vmem>>) dst(%dma_wait3A_299 : memref<256xf32, #tpu.memory_space<hbm>>)
      tpu.yield
    }) : () -> ()
    "tpu.region"() ({
      %run_scoped3A = tpu.sem_alloc : memref<!tpu.dma_semaphore, #tpu.memory_space<semaphore_mem>>
      %dma_start3A_296 = tpu.memref_slice %arg17[%mul3A_2] : memref<8192xf32, #tpu.memory_space<hbm>> -> memref<256xf32, #tpu.memory_space<hbm>>
      %dma_start3A_297 = tpu.memref_slice %arg17[%mul3A_2] : memref<8192xf32, #tpu.memory_space<hbm>> -> memref<256xf32, #tpu.memory_space<hbm>>
      tpu.enqueue_dma source(%arg30 : memref<256xf32, #tpu.memory_space<vmem>>) target(%dma_start3A_297 : memref<256xf32, #tpu.memory_space<hbm>>) target_semaphore(%run_scoped3A : memref<!tpu.dma_semaphore, #tpu.memory_space<semaphore_mem>>)
      %dma_wait3A_298 = tpu.memref_slice %arg17[%mul3A_2] : memref<8192xf32, #tpu.memory_space<hbm>> -> memref<256xf32, #tpu.memory_space<hbm>>
      %dma_wait3A_299 = tpu.memref_slice %arg17[%mul3A_2] : memref<8192xf32, #tpu.memory_space<hbm>> -> memref<256xf32, #tpu.memory_space<hbm>>
      tpu.wait_dma2 semaphore(%run_scoped3A : memref<!tpu.dma_semaphore, #tpu.memory_space<semaphore_mem>>) src(%arg30 : memref<256xf32, #tpu.memory_space<vmem>>) dst(%dma_wait3A_299 : memref<256xf32, #tpu.memory_space<hbm>>)
      tpu.yield
    }) : () -> ()
    "tpu.region"() ({
      %run_scoped3A = tpu.sem_alloc : memref<!tpu.dma_semaphore, #tpu.memory_space<semaphore_mem>>
      %dma_start3A_296 = tpu.memref_slice %arg18[%mul3A_2] : memref<8192xf32, #tpu.memory_space<hbm>> -> memref<256xf32, #tpu.memory_space<hbm>>
      %dma_start3A_297 = tpu.memref_slice %arg18[%mul3A_2] : memref<8192xf32, #tpu.memory_space<hbm>> -> memref<256xf32, #tpu.memory_space<hbm>>
      tpu.enqueue_dma source(%arg31 : memref<256xf32, #tpu.memory_space<vmem>>) target(%dma_start3A_297 : memref<256xf32, #tpu.memory_space<hbm>>) target_semaphore(%run_scoped3A : memref<!tpu.dma_semaphore, #tpu.memory_space<semaphore_mem>>)
      %dma_wait3A_298 = tpu.memref_slice %arg18[%mul3A_2] : memref<8192xf32, #tpu.memory_space<hbm>> -> memref<256xf32, #tpu.memory_space<hbm>>
      %dma_wait3A_299 = tpu.memref_slice %arg18[%mul3A_2] : memref<8192xf32, #tpu.memory_space<hbm>> -> memref<256xf32, #tpu.memory_space<hbm>>
      tpu.wait_dma2 semaphore(%run_scoped3A : memref<!tpu.dma_semaphore, #tpu.memory_space<semaphore_mem>>) src(%arg31 : memref<256xf32, #tpu.memory_space<vmem>>) dst(%dma_wait3A_299 : memref<256xf32, #tpu.memory_space<hbm>>)
      tpu.yield
    }) : () -> ()
    "tpu.region"() ({
      %run_scoped3A = tpu.sem_alloc : memref<!tpu.dma_semaphore, #tpu.memory_space<semaphore_mem>>
      %dma_start3A_296 = tpu.memref_slice %arg19[%mul3A_2] : memref<8192xf32, #tpu.memory_space<hbm>> -> memref<256xf32, #tpu.memory_space<hbm>>
      %dma_start3A_297 = tpu.memref_slice %arg19[%mul3A_2] : memref<8192xf32, #tpu.memory_space<hbm>> -> memref<256xf32, #tpu.memory_space<hbm>>
      tpu.enqueue_dma source(%arg32 : memref<256xf32, #tpu.memory_space<vmem>>) target(%dma_start3A_297 : memref<256xf32, #tpu.memory_space<hbm>>) target_semaphore(%run_scoped3A : memref<!tpu.dma_semaphore, #tpu.memory_space<semaphore_mem>>)
      %dma_wait3A_298 = tpu.memref_slice %arg19[%mul3A_2] : memref<8192xf32, #tpu.memory_space<hbm>> -> memref<256xf32, #tpu.memory_space<hbm>>
      %dma_wait3A_299 = tpu.memref_slice %arg19[%mul3A_2] : memref<8192xf32, #tpu.memory_space<hbm>> -> memref<256xf32, #tpu.memory_space<hbm>>
      tpu.wait_dma2 semaphore(%run_scoped3A : memref<!tpu.dma_semaphore, #tpu.memory_space<semaphore_mem>>) src(%arg32 : memref<256xf32, #tpu.memory_space<vmem>>) dst(%dma_wait3A_299 : memref<256xf32, #tpu.memory_space<hbm>>)
      tpu.yield
    }) : () -> ()
    "tpu.region"() ({
      %run_scoped3A = tpu.sem_alloc : memref<!tpu.dma_semaphore, #tpu.memory_space<semaphore_mem>>
      %dma_start3A_296 = tpu.memref_slice %arg20[%mul3A_2] : memref<8192xf32, #tpu.memory_space<hbm>> -> memref<256xf32, #tpu.memory_space<hbm>>
      %dma_start3A_297 = tpu.memref_slice %arg20[%mul3A_2] : memref<8192xf32, #tpu.memory_space<hbm>> -> memref<256xf32, #tpu.memory_space<hbm>>
      tpu.enqueue_dma source(%arg33 : memref<256xf32, #tpu.memory_space<vmem>>) target(%dma_start3A_297 : memref<256xf32, #tpu.memory_space<hbm>>) target_semaphore(%run_scoped3A : memref<!tpu.dma_semaphore, #tpu.memory_space<semaphore_mem>>)
      %dma_wait3A_298 = tpu.memref_slice %arg20[%mul3A_2] : memref<8192xf32, #tpu.memory_space<hbm>> -> memref<256xf32, #tpu.memory_space<hbm>>
      %dma_wait3A_299 = tpu.memref_slice %arg20[%mul3A_2] : memref<8192xf32, #tpu.memory_space<hbm>> -> memref<256xf32, #tpu.memory_space<hbm>>
      tpu.wait_dma2 semaphore(%run_scoped3A : memref<!tpu.dma_semaphore, #tpu.memory_space<semaphore_mem>>) src(%arg33 : memref<256xf32, #tpu.memory_space<vmem>>) dst(%dma_wait3A_299 : memref<256xf32, #tpu.memory_space<hbm>>)
      tpu.yield
    }) : () -> ()
    "tpu.region"() ({
      %run_scoped3A = tpu.sem_alloc : memref<!tpu.dma_semaphore, #tpu.memory_space<semaphore_mem>>
      %dma_start3A_296 = tpu.memref_slice %arg21[%mul3A_2] : memref<8192xf32, #tpu.memory_space<hbm>> -> memref<256xf32, #tpu.memory_space<hbm>>
      %dma_start3A_297 = tpu.memref_slice %arg21[%mul3A_2] : memref<8192xf32, #tpu.memory_space<hbm>> -> memref<256xf32, #tpu.memory_space<hbm>>
      tpu.enqueue_dma source(%arg34 : memref<256xf32, #tpu.memory_space<vmem>>) target(%dma_start3A_297 : memref<256xf32, #tpu.memory_space<hbm>>) target_semaphore(%run_scoped3A : memref<!tpu.dma_semaphore, #tpu.memory_space<semaphore_mem>>)
      %dma_wait3A_298 = tpu.memref_slice %arg21[%mul3A_2] : memref<8192xf32, #tpu.memory_space<hbm>> -> memref<256xf32, #tpu.memory_space<hbm>>
      %dma_wait3A_299 = tpu.memref_slice %arg21[%mul3A_2] : memref<8192xf32, #tpu.memory_space<hbm>> -> memref<256xf32, #tpu.memory_space<hbm>>
      tpu.wait_dma2 semaphore(%run_scoped3A : memref<!tpu.dma_semaphore, #tpu.memory_space<semaphore_mem>>) src(%arg34 : memref<256xf32, #tpu.memory_space<vmem>>) dst(%dma_wait3A_299 : memref<256xf32, #tpu.memory_space<hbm>>)
      tpu.yield
    }) : () -> ()
    "tpu.region"() ({
      %run_scoped3A = tpu.sem_alloc : memref<!tpu.dma_semaphore, #tpu.memory_space<semaphore_mem>>
      %dma_start3A_296 = tpu.memref_slice %arg22[%mul3A_2] : memref<8192xf32, #tpu.memory_space<hbm>> -> memref<256xf32, #tpu.memory_space<hbm>>
      %dma_start3A_297 = tpu.memref_slice %arg22[%mul3A_2] : memref<8192xf32, #tpu.memory_space<hbm>> -> memref<256xf32, #tpu.memory_space<hbm>>
      tpu.enqueue_dma source(%arg35 : memref<256xf32, #tpu.memory_space<vmem>>) target(%dma_start3A_297 : memref<256xf32, #tpu.memory_space<hbm>>) target_semaphore(%run_scoped3A : memref<!tpu.dma_semaphore, #tpu.memory_space<semaphore_mem>>)
      %dma_wait3A_298 = tpu.memref_slice %arg22[%mul3A_2] : memref<8192xf32, #tpu.memory_space<hbm>> -> memref<256xf32, #tpu.memory_space<hbm>>
      %dma_wait3A_299 = tpu.memref_slice %arg22[%mul3A_2] : memref<8192xf32, #tpu.memory_space<hbm>> -> memref<256xf32, #tpu.memory_space<hbm>>
      tpu.wait_dma2 semaphore(%run_scoped3A : memref<!tpu.dma_semaphore, #tpu.memory_space<semaphore_mem>>) src(%arg35 : memref<256xf32, #tpu.memory_space<vmem>>) dst(%dma_wait3A_299 : memref<256xf32, #tpu.memory_space<hbm>>)
      tpu.yield
    }) : () -> ()
    "tpu.region"() ({
      %run_scoped3A = tpu.sem_alloc : memref<!tpu.dma_semaphore, #tpu.memory_space<semaphore_mem>>
      %dma_start3A_296 = tpu.memref_slice %arg23[%mul3A_2] : memref<8192xf32, #tpu.memory_space<hbm>> -> memref<256xf32, #tpu.memory_space<hbm>>
      %dma_start3A_297 = tpu.memref_slice %arg23[%mul3A_2] : memref<8192xf32, #tpu.memory_space<hbm>> -> memref<256xf32, #tpu.memory_space<hbm>>
      tpu.enqueue_dma source(%arg38 : memref<256xf32, #tpu.memory_space<vmem>>) target(%dma_start3A_297 : memref<256xf32, #tpu.memory_space<hbm>>) target_semaphore(%run_scoped3A : memref<!tpu.dma_semaphore, #tpu.memory_space<semaphore_mem>>)
      %dma_wait3A_298 = tpu.memref_slice %arg23[%mul3A_2] : memref<8192xf32, #tpu.memory_space<hbm>> -> memref<256xf32, #tpu.memory_space<hbm>>
      %dma_wait3A_299 = tpu.memref_slice %arg23[%mul3A_2] : memref<8192xf32, #tpu.memory_space<hbm>> -> memref<256xf32, #tpu.memory_space<hbm>>
      tpu.wait_dma2 semaphore(%run_scoped3A : memref<!tpu.dma_semaphore, #tpu.memory_space<semaphore_mem>>) src(%arg38 : memref<256xf32, #tpu.memory_space<vmem>>) dst(%dma_wait3A_299 : memref<256xf32, #tpu.memory_space<hbm>>)
      tpu.yield
    }) : () -> ()
    "tpu.region"() ({
      %run_scoped3A = tpu.sem_alloc : memref<!tpu.dma_semaphore, #tpu.memory_space<semaphore_mem>>
      %dma_start3A_296 = tpu.memref_slice %arg24[%mul3A_2] : memref<8192xf32, #tpu.memory_space<hbm>> -> memref<256xf32, #tpu.memory_space<hbm>>
      %dma_start3A_297 = tpu.memref_slice %arg24[%mul3A_2] : memref<8192xf32, #tpu.memory_space<hbm>> -> memref<256xf32, #tpu.memory_space<hbm>>
      tpu.enqueue_dma source(%arg39 : memref<256xf32, #tpu.memory_space<vmem>>) target(%dma_start3A_297 : memref<256xf32, #tpu.memory_space<hbm>>) target_semaphore(%run_scoped3A : memref<!tpu.dma_semaphore, #tpu.memory_space<semaphore_mem>>)
      %dma_wait3A_298 = tpu.memref_slice %arg24[%mul3A_2] : memref<8192xf32, #tpu.memory_space<hbm>> -> memref<256xf32, #tpu.memory_space<hbm>>
      %dma_wait3A_299 = tpu.memref_slice %arg24[%mul3A_2] : memref<8192xf32, #tpu.memory_space<hbm>> -> memref<256xf32, #tpu.memory_space<hbm>>
      tpu.wait_dma2 semaphore(%run_scoped3A : memref<!tpu.dma_semaphore, #tpu.memory_space<semaphore_mem>>) src(%arg39 : memref<256xf32, #tpu.memory_space<vmem>>) dst(%dma_wait3A_299 : memref<256xf32, #tpu.memory_space<hbm>>)
      tpu.yield
    }) : () -> ()
    "tpu.region"() ({
      %run_scoped3A = tpu.sem_alloc : memref<!tpu.dma_semaphore, #tpu.memory_space<semaphore_mem>>
      %dma_start3A_296 = tpu.memref_slice %arg25[%mul3A_2] : memref<8192xf32, #tpu.memory_space<hbm>> -> memref<256xf32, #tpu.memory_space<hbm>>
      %dma_start3A_297 = tpu.memref_slice %arg25[%mul3A_2] : memref<8192xf32, #tpu.memory_space<hbm>> -> memref<256xf32, #tpu.memory_space<hbm>>
      tpu.enqueue_dma source(%arg40 : memref<256xf32, #tpu.memory_space<vmem>>) target(%dma_start3A_297 : memref<256xf32, #tpu.memory_space<hbm>>) target_semaphore(%run_scoped3A : memref<!tpu.dma_semaphore, #tpu.memory_space<semaphore_mem>>)
      %dma_wait3A_298 = tpu.memref_slice %arg25[%mul3A_2] : memref<8192xf32, #tpu.memory_space<hbm>> -> memref<256xf32, #tpu.memory_space<hbm>>
      %dma_wait3A_299 = tpu.memref_slice %arg25[%mul3A_2] : memref<8192xf32, #tpu.memory_space<hbm>> -> memref<256xf32, #tpu.memory_space<hbm>>
      tpu.wait_dma2 semaphore(%run_scoped3A : memref<!tpu.dma_semaphore, #tpu.memory_space<semaphore_mem>>) src(%arg40 : memref<256xf32, #tpu.memory_space<vmem>>) dst(%dma_wait3A_299 : memref<256xf32, #tpu.memory_space<hbm>>)
      tpu.yield
    }) : () -> ()
    return
  }
}

module attributes {stable_mosaic.version = 14 : i64} {
  func.func @_argmin_body(%arg0: i32, %arg1: memref<2048x2xf32, #tpu.memory_space<vmem>>, %arg2: memref<2x16384xf32, #tpu.memory_space<vmem>>, %arg3: memref<2048xi32, #tpu.memory_space<vmem>>) attributes {dimension_semantics = [#tpu.dimension_semantics<arbitrary>], iteration_bounds = array<i64: 4>, scalar_prefetch = 0 : i64, scratch_operands = 0 : i64, tpu.core_type = #tpu.core_type<tc>, window_params = [{transform_indices = @transform_0, window_bounds = array<i64: 2048, 2>}, {pipeline_mode = #tpu.pipeline_mode<synchronous>, transform_indices = @transform_1, window_bounds = array<i64: 2, 16384>}, {transform_indices = @transform_2, window_bounds = array<i64: 2048>}]} {
    %get3A = arith.constant 0 : index
    %get3A_0 = arith.constant 0 : index
    %get3A_1 = vector.load %arg1[%get3A, %get3A_0] : memref<2048x2xf32, #tpu.memory_space<vmem>>, vector<2048x2xf32>
    %get3A_2 = arith.constant 0 : index
    %get3A_3 = arith.constant 0 : index
    %get3A_4 = vector.load %arg2[%get3A_2, %get3A_3] : memref<2x16384xf32, #tpu.memory_space<vmem>>, vector<2x16384xf32>
    %add3A = arith.addf %get3A_1, %get3A_1 : vector<2048x2xf32>
    %dot_general3A = arith.constant dense<0.000000e+00> : vector<2048x16384xf32>
    %dot_general3A_5 = tpu.matmul %add3A, %get3A_4, %dot_general3A {dimension_numbers = #tpu.dot_dimension_numbers<[1], [0], [0], [1], [0, 0, 1, 1], [], []>, transpose_lhs_hint = false} : vector<2048x2xf32>, vector<2x16384xf32>, vector<2048x16384xf32> -> vector<2048x16384xf32>
    %mul3A = arith.mulf %get3A_1, %get3A_1 : vector<2048x2xf32>
    %reduce_sum3A = arith.constant dense<0.000000e+00> : vector<2048xf32>
    %reduce_sum3A_6 = vector.multi_reduction <add>, %mul3A, %reduce_sum3A [1] : vector<2048x2xf32> to vector<2048xf32>
    %broadcast_in_dim3A = vector.shape_cast %reduce_sum3A_6 : vector<2048xf32> to vector<2048x1xf32>
    %mul3A_7 = arith.mulf %get3A_4, %get3A_4 : vector<2x16384xf32>
    %reduce_sum3A_8 = arith.constant dense<0.000000e+00> : vector<16384xf32>
    %reduce_sum3A_9 = vector.multi_reduction <add>, %mul3A_7, %reduce_sum3A_8 [0] : vector<2x16384xf32> to vector<16384xf32>
    %broadcast_in_dim3A_10 = vector.shape_cast %reduce_sum3A_9 : vector<16384xf32> to vector<1x16384xf32>
    %add3A_11 = vector.broadcast %broadcast_in_dim3A : vector<2048x1xf32> to vector<2048x16384xf32>
    %add3A_12 = vector.broadcast %broadcast_in_dim3A_10 : vector<1x16384xf32> to vector<2048x16384xf32>
    %add3A_13 = arith.addf %add3A_11, %add3A_12 : vector<2048x16384xf32>
    %broadcast_in_dim3A_14 = arith.constant 0x7F800000 : f32
    %broadcast_in_dim3A_15 = vector.broadcast %broadcast_in_dim3A_14 : f32 to vector<2048x128xf32>
    %broadcast_in_dim3A_16 = arith.constant 0 : i32
    %broadcast_in_dim3A_17 = vector.broadcast %broadcast_in_dim3A_16 : i32 to vector<2048x128xi32>
    %slice3A = vector.extract_strided_slice %add3A_13 {offsets = [0, 0], sizes = [2048, 128], strides = [1, 1]} : vector<2048x16384xf32> to vector<2048x128xf32>
    %slice3A_18 = vector.extract_strided_slice %dot_general3A_5 {offsets = [0, 0], sizes = [2048, 128], strides = [1, 1]} : vector<2048x16384xf32> to vector<2048x128xf32>
    %sub3A = arith.subf %slice3A, %slice3A_18 : vector<2048x128xf32>
    %lt3A = arith.cmpf olt, %sub3A, %broadcast_in_dim3A_15 : vector<2048x128xf32>
    %min3A = arith.minimumf %broadcast_in_dim3A_15, %sub3A : vector<2048x128xf32>
    %jit3A = arith.constant 0 : i32
    %broadcast_in_dim3A_19 = vector.broadcast %jit3A : i32 to vector<2048x128xi32>
    %select_n3A = arith.select %lt3A, %broadcast_in_dim3A_19, %broadcast_in_dim3A_17 : vector<2048x128xi1>, vector<2048x128xi32>
    %slice3A_20 = vector.extract_strided_slice %add3A_13 {offsets = [0, 128], sizes = [2048, 128], strides = [1, 1]} : vector<2048x16384xf32> to vector<2048x128xf32>
    %slice3A_21 = vector.extract_strided_slice %dot_general3A_5 {offsets = [0, 128], sizes = [2048, 128], strides = [1, 1]} : vector<2048x16384xf32> to vector<2048x128xf32>
    %sub3A_22 = arith.subf %slice3A_20, %slice3A_21 : vector<2048x128xf32>
    %lt3A_23 = arith.cmpf olt, %sub3A_22, %min3A : vector<2048x128xf32>
    %min3A_24 = arith.minimumf %min3A, %sub3A_22 : vector<2048x128xf32>
    %jit3A_25 = arith.constant 1 : i32
    %broadcast_in_dim3A_26 = vector.broadcast %jit3A_25 : i32 to vector<2048x128xi32>
    %select_n3A_27 = arith.select %lt3A_23, %broadcast_in_dim3A_26, %select_n3A : vector<2048x128xi1>, vector<2048x128xi32>
    %slice3A_28 = vector.extract_strided_slice %add3A_13 {offsets = [0, 256], sizes = [2048, 128], strides = [1, 1]} : vector<2048x16384xf32> to vector<2048x128xf32>
    %slice3A_29 = vector.extract_strided_slice %dot_general3A_5 {offsets = [0, 256], sizes = [2048, 128], strides = [1, 1]} : vector<2048x16384xf32> to vector<2048x128xf32>
    %sub3A_30 = arith.subf %slice3A_28, %slice3A_29 : vector<2048x128xf32>
    %lt3A_31 = arith.cmpf olt, %sub3A_30, %min3A_24 : vector<2048x128xf32>
    %min3A_32 = arith.minimumf %min3A_24, %sub3A_30 : vector<2048x128xf32>
    %jit3A_33 = arith.constant 2 : i32
    %broadcast_in_dim3A_34 = vector.broadcast %jit3A_33 : i32 to vector<2048x128xi32>
    %select_n3A_35 = arith.select %lt3A_31, %broadcast_in_dim3A_34, %select_n3A_27 : vector<2048x128xi1>, vector<2048x128xi32>
    %slice3A_36 = vector.extract_strided_slice %add3A_13 {offsets = [0, 384], sizes = [2048, 128], strides = [1, 1]} : vector<2048x16384xf32> to vector<2048x128xf32>
    %slice3A_37 = vector.extract_strided_slice %dot_general3A_5 {offsets = [0, 384], sizes = [2048, 128], strides = [1, 1]} : vector<2048x16384xf32> to vector<2048x128xf32>
    %sub3A_38 = arith.subf %slice3A_36, %slice3A_37 : vector<2048x128xf32>
    %lt3A_39 = arith.cmpf olt, %sub3A_38, %min3A_32 : vector<2048x128xf32>
    %min3A_40 = arith.minimumf %min3A_32, %sub3A_38 : vector<2048x128xf32>
    %jit3A_41 = arith.constant 3 : i32
    %broadcast_in_dim3A_42 = vector.broadcast %jit3A_41 : i32 to vector<2048x128xi32>
    %select_n3A_43 = arith.select %lt3A_39, %broadcast_in_dim3A_42, %select_n3A_35 : vector<2048x128xi1>, vector<2048x128xi32>
    %slice3A_44 = vector.extract_strided_slice %add3A_13 {offsets = [0, 512], sizes = [2048, 128], strides = [1, 1]} : vector<2048x16384xf32> to vector<2048x128xf32>
    %slice3A_45 = vector.extract_strided_slice %dot_general3A_5 {offsets = [0, 512], sizes = [2048, 128], strides = [1, 1]} : vector<2048x16384xf32> to vector<2048x128xf32>
    %sub3A_46 = arith.subf %slice3A_44, %slice3A_45 : vector<2048x128xf32>
    %lt3A_47 = arith.cmpf olt, %sub3A_46, %min3A_40 : vector<2048x128xf32>
    %min3A_48 = arith.minimumf %min3A_40, %sub3A_46 : vector<2048x128xf32>
    %jit3A_49 = arith.constant 4 : i32
    %broadcast_in_dim3A_50 = vector.broadcast %jit3A_49 : i32 to vector<2048x128xi32>
    %select_n3A_51 = arith.select %lt3A_47, %broadcast_in_dim3A_50, %select_n3A_43 : vector<2048x128xi1>, vector<2048x128xi32>
    %slice3A_52 = vector.extract_strided_slice %add3A_13 {offsets = [0, 640], sizes = [2048, 128], strides = [1, 1]} : vector<2048x16384xf32> to vector<2048x128xf32>
    %slice3A_53 = vector.extract_strided_slice %dot_general3A_5 {offsets = [0, 640], sizes = [2048, 128], strides = [1, 1]} : vector<2048x16384xf32> to vector<2048x128xf32>
    %sub3A_54 = arith.subf %slice3A_52, %slice3A_53 : vector<2048x128xf32>
    %lt3A_55 = arith.cmpf olt, %sub3A_54, %min3A_48 : vector<2048x128xf32>
    %min3A_56 = arith.minimumf %min3A_48, %sub3A_54 : vector<2048x128xf32>
    %jit3A_57 = arith.constant 5 : i32
    %broadcast_in_dim3A_58 = vector.broadcast %jit3A_57 : i32 to vector<2048x128xi32>
    %select_n3A_59 = arith.select %lt3A_55, %broadcast_in_dim3A_58, %select_n3A_51 : vector<2048x128xi1>, vector<2048x128xi32>
    %slice3A_60 = vector.extract_strided_slice %add3A_13 {offsets = [0, 768], sizes = [2048, 128], strides = [1, 1]} : vector<2048x16384xf32> to vector<2048x128xf32>
    %slice3A_61 = vector.extract_strided_slice %dot_general3A_5 {offsets = [0, 768], sizes = [2048, 128], strides = [1, 1]} : vector<2048x16384xf32> to vector<2048x128xf32>
    %sub3A_62 = arith.subf %slice3A_60, %slice3A_61 : vector<2048x128xf32>
    %lt3A_63 = arith.cmpf olt, %sub3A_62, %min3A_56 : vector<2048x128xf32>
    %min3A_64 = arith.minimumf %min3A_56, %sub3A_62 : vector<2048x128xf32>
    %jit3A_65 = arith.constant 6 : i32
    %broadcast_in_dim3A_66 = vector.broadcast %jit3A_65 : i32 to vector<2048x128xi32>
    %select_n3A_67 = arith.select %lt3A_63, %broadcast_in_dim3A_66, %select_n3A_59 : vector<2048x128xi1>, vector<2048x128xi32>
    %slice3A_68 = vector.extract_strided_slice %add3A_13 {offsets = [0, 896], sizes = [2048, 128], strides = [1, 1]} : vector<2048x16384xf32> to vector<2048x128xf32>
    %slice3A_69 = vector.extract_strided_slice %dot_general3A_5 {offsets = [0, 896], sizes = [2048, 128], strides = [1, 1]} : vector<2048x16384xf32> to vector<2048x128xf32>
    %sub3A_70 = arith.subf %slice3A_68, %slice3A_69 : vector<2048x128xf32>
    %lt3A_71 = arith.cmpf olt, %sub3A_70, %min3A_64 : vector<2048x128xf32>
    %min3A_72 = arith.minimumf %min3A_64, %sub3A_70 : vector<2048x128xf32>
    %jit3A_73 = arith.constant 7 : i32
    %broadcast_in_dim3A_74 = vector.broadcast %jit3A_73 : i32 to vector<2048x128xi32>
    %select_n3A_75 = arith.select %lt3A_71, %broadcast_in_dim3A_74, %select_n3A_67 : vector<2048x128xi1>, vector<2048x128xi32>
    %slice3A_76 = vector.extract_strided_slice %add3A_13 {offsets = [0, 1024], sizes = [2048, 128], strides = [1, 1]} : vector<2048x16384xf32> to vector<2048x128xf32>
    %slice3A_77 = vector.extract_strided_slice %dot_general3A_5 {offsets = [0, 1024], sizes = [2048, 128], strides = [1, 1]} : vector<2048x16384xf32> to vector<2048x128xf32>
    %sub3A_78 = arith.subf %slice3A_76, %slice3A_77 : vector<2048x128xf32>
    %lt3A_79 = arith.cmpf olt, %sub3A_78, %min3A_72 : vector<2048x128xf32>
    %min3A_80 = arith.minimumf %min3A_72, %sub3A_78 : vector<2048x128xf32>
    %jit3A_81 = arith.constant 8 : i32
    %broadcast_in_dim3A_82 = vector.broadcast %jit3A_81 : i32 to vector<2048x128xi32>
    %select_n3A_83 = arith.select %lt3A_79, %broadcast_in_dim3A_82, %select_n3A_75 : vector<2048x128xi1>, vector<2048x128xi32>
    %slice3A_84 = vector.extract_strided_slice %add3A_13 {offsets = [0, 1152], sizes = [2048, 128], strides = [1, 1]} : vector<2048x16384xf32> to vector<2048x128xf32>
    %slice3A_85 = vector.extract_strided_slice %dot_general3A_5 {offsets = [0, 1152], sizes = [2048, 128], strides = [1, 1]} : vector<2048x16384xf32> to vector<2048x128xf32>
    %sub3A_86 = arith.subf %slice3A_84, %slice3A_85 : vector<2048x128xf32>
    %lt3A_87 = arith.cmpf olt, %sub3A_86, %min3A_80 : vector<2048x128xf32>
    %min3A_88 = arith.minimumf %min3A_80, %sub3A_86 : vector<2048x128xf32>
    %jit3A_89 = arith.constant 9 : i32
    %broadcast_in_dim3A_90 = vector.broadcast %jit3A_89 : i32 to vector<2048x128xi32>
    %select_n3A_91 = arith.select %lt3A_87, %broadcast_in_dim3A_90, %select_n3A_83 : vector<2048x128xi1>, vector<2048x128xi32>
    %slice3A_92 = vector.extract_strided_slice %add3A_13 {offsets = [0, 1280], sizes = [2048, 128], strides = [1, 1]} : vector<2048x16384xf32> to vector<2048x128xf32>
    %slice3A_93 = vector.extract_strided_slice %dot_general3A_5 {offsets = [0, 1280], sizes = [2048, 128], strides = [1, 1]} : vector<2048x16384xf32> to vector<2048x128xf32>
    %sub3A_94 = arith.subf %slice3A_92, %slice3A_93 : vector<2048x128xf32>
    %lt3A_95 = arith.cmpf olt, %sub3A_94, %min3A_88 : vector<2048x128xf32>
    %min3A_96 = arith.minimumf %min3A_88, %sub3A_94 : vector<2048x128xf32>
    %jit3A_97 = arith.constant 10 : i32
    %broadcast_in_dim3A_98 = vector.broadcast %jit3A_97 : i32 to vector<2048x128xi32>
    %select_n3A_99 = arith.select %lt3A_95, %broadcast_in_dim3A_98, %select_n3A_91 : vector<2048x128xi1>, vector<2048x128xi32>
    %slice3A_100 = vector.extract_strided_slice %add3A_13 {offsets = [0, 1408], sizes = [2048, 128], strides = [1, 1]} : vector<2048x16384xf32> to vector<2048x128xf32>
    %slice3A_101 = vector.extract_strided_slice %dot_general3A_5 {offsets = [0, 1408], sizes = [2048, 128], strides = [1, 1]} : vector<2048x16384xf32> to vector<2048x128xf32>
    %sub3A_102 = arith.subf %slice3A_100, %slice3A_101 : vector<2048x128xf32>
    %lt3A_103 = arith.cmpf olt, %sub3A_102, %min3A_96 : vector<2048x128xf32>
    %min3A_104 = arith.minimumf %min3A_96, %sub3A_102 : vector<2048x128xf32>
    %jit3A_105 = arith.constant 11 : i32
    %broadcast_in_dim3A_106 = vector.broadcast %jit3A_105 : i32 to vector<2048x128xi32>
    %select_n3A_107 = arith.select %lt3A_103, %broadcast_in_dim3A_106, %select_n3A_99 : vector<2048x128xi1>, vector<2048x128xi32>
    %slice3A_108 = vector.extract_strided_slice %add3A_13 {offsets = [0, 1536], sizes = [2048, 128], strides = [1, 1]} : vector<2048x16384xf32> to vector<2048x128xf32>
    %slice3A_109 = vector.extract_strided_slice %dot_general3A_5 {offsets = [0, 1536], sizes = [2048, 128], strides = [1, 1]} : vector<2048x16384xf32> to vector<2048x128xf32>
    %sub3A_110 = arith.subf %slice3A_108, %slice3A_109 : vector<2048x128xf32>
    %lt3A_111 = arith.cmpf olt, %sub3A_110, %min3A_104 : vector<2048x128xf32>
    %min3A_112 = arith.minimumf %min3A_104, %sub3A_110 : vector<2048x128xf32>
    %jit3A_113 = arith.constant 12 : i32
    %broadcast_in_dim3A_114 = vector.broadcast %jit3A_113 : i32 to vector<2048x128xi32>
    %select_n3A_115 = arith.select %lt3A_111, %broadcast_in_dim3A_114, %select_n3A_107 : vector<2048x128xi1>, vector<2048x128xi32>
    %slice3A_116 = vector.extract_strided_slice %add3A_13 {offsets = [0, 1664], sizes = [2048, 128], strides = [1, 1]} : vector<2048x16384xf32> to vector<2048x128xf32>
    %slice3A_117 = vector.extract_strided_slice %dot_general3A_5 {offsets = [0, 1664], sizes = [2048, 128], strides = [1, 1]} : vector<2048x16384xf32> to vector<2048x128xf32>
    %sub3A_118 = arith.subf %slice3A_116, %slice3A_117 : vector<2048x128xf32>
    %lt3A_119 = arith.cmpf olt, %sub3A_118, %min3A_112 : vector<2048x128xf32>
    %min3A_120 = arith.minimumf %min3A_112, %sub3A_118 : vector<2048x128xf32>
    %jit3A_121 = arith.constant 13 : i32
    %broadcast_in_dim3A_122 = vector.broadcast %jit3A_121 : i32 to vector<2048x128xi32>
    %select_n3A_123 = arith.select %lt3A_119, %broadcast_in_dim3A_122, %select_n3A_115 : vector<2048x128xi1>, vector<2048x128xi32>
    %slice3A_124 = vector.extract_strided_slice %add3A_13 {offsets = [0, 1792], sizes = [2048, 128], strides = [1, 1]} : vector<2048x16384xf32> to vector<2048x128xf32>
    %slice3A_125 = vector.extract_strided_slice %dot_general3A_5 {offsets = [0, 1792], sizes = [2048, 128], strides = [1, 1]} : vector<2048x16384xf32> to vector<2048x128xf32>
    %sub3A_126 = arith.subf %slice3A_124, %slice3A_125 : vector<2048x128xf32>
    %lt3A_127 = arith.cmpf olt, %sub3A_126, %min3A_120 : vector<2048x128xf32>
    %min3A_128 = arith.minimumf %min3A_120, %sub3A_126 : vector<2048x128xf32>
    %jit3A_129 = arith.constant 14 : i32
    %broadcast_in_dim3A_130 = vector.broadcast %jit3A_129 : i32 to vector<2048x128xi32>
    %select_n3A_131 = arith.select %lt3A_127, %broadcast_in_dim3A_130, %select_n3A_123 : vector<2048x128xi1>, vector<2048x128xi32>
    %slice3A_132 = vector.extract_strided_slice %add3A_13 {offsets = [0, 1920], sizes = [2048, 128], strides = [1, 1]} : vector<2048x16384xf32> to vector<2048x128xf32>
    %slice3A_133 = vector.extract_strided_slice %dot_general3A_5 {offsets = [0, 1920], sizes = [2048, 128], strides = [1, 1]} : vector<2048x16384xf32> to vector<2048x128xf32>
    %sub3A_134 = arith.subf %slice3A_132, %slice3A_133 : vector<2048x128xf32>
    %lt3A_135 = arith.cmpf olt, %sub3A_134, %min3A_128 : vector<2048x128xf32>
    %min3A_136 = arith.minimumf %min3A_128, %sub3A_134 : vector<2048x128xf32>
    %jit3A_137 = arith.constant 15 : i32
    %broadcast_in_dim3A_138 = vector.broadcast %jit3A_137 : i32 to vector<2048x128xi32>
    %select_n3A_139 = arith.select %lt3A_135, %broadcast_in_dim3A_138, %select_n3A_131 : vector<2048x128xi1>, vector<2048x128xi32>
    %slice3A_140 = vector.extract_strided_slice %add3A_13 {offsets = [0, 2048], sizes = [2048, 128], strides = [1, 1]} : vector<2048x16384xf32> to vector<2048x128xf32>
    %slice3A_141 = vector.extract_strided_slice %dot_general3A_5 {offsets = [0, 2048], sizes = [2048, 128], strides = [1, 1]} : vector<2048x16384xf32> to vector<2048x128xf32>
    %sub3A_142 = arith.subf %slice3A_140, %slice3A_141 : vector<2048x128xf32>
    %lt3A_143 = arith.cmpf olt, %sub3A_142, %min3A_136 : vector<2048x128xf32>
    %min3A_144 = arith.minimumf %min3A_136, %sub3A_142 : vector<2048x128xf32>
    %jit3A_145 = arith.constant 16 : i32
    %broadcast_in_dim3A_146 = vector.broadcast %jit3A_145 : i32 to vector<2048x128xi32>
    %select_n3A_147 = arith.select %lt3A_143, %broadcast_in_dim3A_146, %select_n3A_139 : vector<2048x128xi1>, vector<2048x128xi32>
    %slice3A_148 = vector.extract_strided_slice %add3A_13 {offsets = [0, 2176], sizes = [2048, 128], strides = [1, 1]} : vector<2048x16384xf32> to vector<2048x128xf32>
    %slice3A_149 = vector.extract_strided_slice %dot_general3A_5 {offsets = [0, 2176], sizes = [2048, 128], strides = [1, 1]} : vector<2048x16384xf32> to vector<2048x128xf32>
    %sub3A_150 = arith.subf %slice3A_148, %slice3A_149 : vector<2048x128xf32>
    %lt3A_151 = arith.cmpf olt, %sub3A_150, %min3A_144 : vector<2048x128xf32>
    %min3A_152 = arith.minimumf %min3A_144, %sub3A_150 : vector<2048x128xf32>
    %jit3A_153 = arith.constant 17 : i32
    %broadcast_in_dim3A_154 = vector.broadcast %jit3A_153 : i32 to vector<2048x128xi32>
    %select_n3A_155 = arith.select %lt3A_151, %broadcast_in_dim3A_154, %select_n3A_147 : vector<2048x128xi1>, vector<2048x128xi32>
    %slice3A_156 = vector.extract_strided_slice %add3A_13 {offsets = [0, 2304], sizes = [2048, 128], strides = [1, 1]} : vector<2048x16384xf32> to vector<2048x128xf32>
    %slice3A_157 = vector.extract_strided_slice %dot_general3A_5 {offsets = [0, 2304], sizes = [2048, 128], strides = [1, 1]} : vector<2048x16384xf32> to vector<2048x128xf32>
    %sub3A_158 = arith.subf %slice3A_156, %slice3A_157 : vector<2048x128xf32>
    %lt3A_159 = arith.cmpf olt, %sub3A_158, %min3A_152 : vector<2048x128xf32>
    %min3A_160 = arith.minimumf %min3A_152, %sub3A_158 : vector<2048x128xf32>
    %jit3A_161 = arith.constant 18 : i32
    %broadcast_in_dim3A_162 = vector.broadcast %jit3A_161 : i32 to vector<2048x128xi32>
    %select_n3A_163 = arith.select %lt3A_159, %broadcast_in_dim3A_162, %select_n3A_155 : vector<2048x128xi1>, vector<2048x128xi32>
    %slice3A_164 = vector.extract_strided_slice %add3A_13 {offsets = [0, 2432], sizes = [2048, 128], strides = [1, 1]} : vector<2048x16384xf32> to vector<2048x128xf32>
    %slice3A_165 = vector.extract_strided_slice %dot_general3A_5 {offsets = [0, 2432], sizes = [2048, 128], strides = [1, 1]} : vector<2048x16384xf32> to vector<2048x128xf32>
    %sub3A_166 = arith.subf %slice3A_164, %slice3A_165 : vector<2048x128xf32>
    %lt3A_167 = arith.cmpf olt, %sub3A_166, %min3A_160 : vector<2048x128xf32>
    %min3A_168 = arith.minimumf %min3A_160, %sub3A_166 : vector<2048x128xf32>
    %jit3A_169 = arith.constant 19 : i32
    %broadcast_in_dim3A_170 = vector.broadcast %jit3A_169 : i32 to vector<2048x128xi32>
    %select_n3A_171 = arith.select %lt3A_167, %broadcast_in_dim3A_170, %select_n3A_163 : vector<2048x128xi1>, vector<2048x128xi32>
    %slice3A_172 = vector.extract_strided_slice %add3A_13 {offsets = [0, 2560], sizes = [2048, 128], strides = [1, 1]} : vector<2048x16384xf32> to vector<2048x128xf32>
    %slice3A_173 = vector.extract_strided_slice %dot_general3A_5 {offsets = [0, 2560], sizes = [2048, 128], strides = [1, 1]} : vector<2048x16384xf32> to vector<2048x128xf32>
    %sub3A_174 = arith.subf %slice3A_172, %slice3A_173 : vector<2048x128xf32>
    %lt3A_175 = arith.cmpf olt, %sub3A_174, %min3A_168 : vector<2048x128xf32>
    %min3A_176 = arith.minimumf %min3A_168, %sub3A_174 : vector<2048x128xf32>
    %jit3A_177 = arith.constant 20 : i32
    %broadcast_in_dim3A_178 = vector.broadcast %jit3A_177 : i32 to vector<2048x128xi32>
    %select_n3A_179 = arith.select %lt3A_175, %broadcast_in_dim3A_178, %select_n3A_171 : vector<2048x128xi1>, vector<2048x128xi32>
    %slice3A_180 = vector.extract_strided_slice %add3A_13 {offsets = [0, 2688], sizes = [2048, 128], strides = [1, 1]} : vector<2048x16384xf32> to vector<2048x128xf32>
    %slice3A_181 = vector.extract_strided_slice %dot_general3A_5 {offsets = [0, 2688], sizes = [2048, 128], strides = [1, 1]} : vector<2048x16384xf32> to vector<2048x128xf32>
    %sub3A_182 = arith.subf %slice3A_180, %slice3A_181 : vector<2048x128xf32>
    %lt3A_183 = arith.cmpf olt, %sub3A_182, %min3A_176 : vector<2048x128xf32>
    %min3A_184 = arith.minimumf %min3A_176, %sub3A_182 : vector<2048x128xf32>
    %jit3A_185 = arith.constant 21 : i32
    %broadcast_in_dim3A_186 = vector.broadcast %jit3A_185 : i32 to vector<2048x128xi32>
    %select_n3A_187 = arith.select %lt3A_183, %broadcast_in_dim3A_186, %select_n3A_179 : vector<2048x128xi1>, vector<2048x128xi32>
    %slice3A_188 = vector.extract_strided_slice %add3A_13 {offsets = [0, 2816], sizes = [2048, 128], strides = [1, 1]} : vector<2048x16384xf32> to vector<2048x128xf32>
    %slice3A_189 = vector.extract_strided_slice %dot_general3A_5 {offsets = [0, 2816], sizes = [2048, 128], strides = [1, 1]} : vector<2048x16384xf32> to vector<2048x128xf32>
    %sub3A_190 = arith.subf %slice3A_188, %slice3A_189 : vector<2048x128xf32>
    %lt3A_191 = arith.cmpf olt, %sub3A_190, %min3A_184 : vector<2048x128xf32>
    %min3A_192 = arith.minimumf %min3A_184, %sub3A_190 : vector<2048x128xf32>
    %jit3A_193 = arith.constant 22 : i32
    %broadcast_in_dim3A_194 = vector.broadcast %jit3A_193 : i32 to vector<2048x128xi32>
    %select_n3A_195 = arith.select %lt3A_191, %broadcast_in_dim3A_194, %select_n3A_187 : vector<2048x128xi1>, vector<2048x128xi32>
    %slice3A_196 = vector.extract_strided_slice %add3A_13 {offsets = [0, 2944], sizes = [2048, 128], strides = [1, 1]} : vector<2048x16384xf32> to vector<2048x128xf32>
    %slice3A_197 = vector.extract_strided_slice %dot_general3A_5 {offsets = [0, 2944], sizes = [2048, 128], strides = [1, 1]} : vector<2048x16384xf32> to vector<2048x128xf32>
    %sub3A_198 = arith.subf %slice3A_196, %slice3A_197 : vector<2048x128xf32>
    %lt3A_199 = arith.cmpf olt, %sub3A_198, %min3A_192 : vector<2048x128xf32>
    %min3A_200 = arith.minimumf %min3A_192, %sub3A_198 : vector<2048x128xf32>
    %jit3A_201 = arith.constant 23 : i32
    %broadcast_in_dim3A_202 = vector.broadcast %jit3A_201 : i32 to vector<2048x128xi32>
    %select_n3A_203 = arith.select %lt3A_199, %broadcast_in_dim3A_202, %select_n3A_195 : vector<2048x128xi1>, vector<2048x128xi32>
    %slice3A_204 = vector.extract_strided_slice %add3A_13 {offsets = [0, 3072], sizes = [2048, 128], strides = [1, 1]} : vector<2048x16384xf32> to vector<2048x128xf32>
    %slice3A_205 = vector.extract_strided_slice %dot_general3A_5 {offsets = [0, 3072], sizes = [2048, 128], strides = [1, 1]} : vector<2048x16384xf32> to vector<2048x128xf32>
    %sub3A_206 = arith.subf %slice3A_204, %slice3A_205 : vector<2048x128xf32>
    %lt3A_207 = arith.cmpf olt, %sub3A_206, %min3A_200 : vector<2048x128xf32>
    %min3A_208 = arith.minimumf %min3A_200, %sub3A_206 : vector<2048x128xf32>
    %jit3A_209 = arith.constant 24 : i32
    %broadcast_in_dim3A_210 = vector.broadcast %jit3A_209 : i32 to vector<2048x128xi32>
    %select_n3A_211 = arith.select %lt3A_207, %broadcast_in_dim3A_210, %select_n3A_203 : vector<2048x128xi1>, vector<2048x128xi32>
    %slice3A_212 = vector.extract_strided_slice %add3A_13 {offsets = [0, 3200], sizes = [2048, 128], strides = [1, 1]} : vector<2048x16384xf32> to vector<2048x128xf32>
    %slice3A_213 = vector.extract_strided_slice %dot_general3A_5 {offsets = [0, 3200], sizes = [2048, 128], strides = [1, 1]} : vector<2048x16384xf32> to vector<2048x128xf32>
    %sub3A_214 = arith.subf %slice3A_212, %slice3A_213 : vector<2048x128xf32>
    %lt3A_215 = arith.cmpf olt, %sub3A_214, %min3A_208 : vector<2048x128xf32>
    %min3A_216 = arith.minimumf %min3A_208, %sub3A_214 : vector<2048x128xf32>
    %jit3A_217 = arith.constant 25 : i32
    %broadcast_in_dim3A_218 = vector.broadcast %jit3A_217 : i32 to vector<2048x128xi32>
    %select_n3A_219 = arith.select %lt3A_215, %broadcast_in_dim3A_218, %select_n3A_211 : vector<2048x128xi1>, vector<2048x128xi32>
    %slice3A_220 = vector.extract_strided_slice %add3A_13 {offsets = [0, 3328], sizes = [2048, 128], strides = [1, 1]} : vector<2048x16384xf32> to vector<2048x128xf32>
    %slice3A_221 = vector.extract_strided_slice %dot_general3A_5 {offsets = [0, 3328], sizes = [2048, 128], strides = [1, 1]} : vector<2048x16384xf32> to vector<2048x128xf32>
    %sub3A_222 = arith.subf %slice3A_220, %slice3A_221 : vector<2048x128xf32>
    %lt3A_223 = arith.cmpf olt, %sub3A_222, %min3A_216 : vector<2048x128xf32>
    %min3A_224 = arith.minimumf %min3A_216, %sub3A_222 : vector<2048x128xf32>
    %jit3A_225 = arith.constant 26 : i32
    %broadcast_in_dim3A_226 = vector.broadcast %jit3A_225 : i32 to vector<2048x128xi32>
    %select_n3A_227 = arith.select %lt3A_223, %broadcast_in_dim3A_226, %select_n3A_219 : vector<2048x128xi1>, vector<2048x128xi32>
    %slice3A_228 = vector.extract_strided_slice %add3A_13 {offsets = [0, 3456], sizes = [2048, 128], strides = [1, 1]} : vector<2048x16384xf32> to vector<2048x128xf32>
    %slice3A_229 = vector.extract_strided_slice %dot_general3A_5 {offsets = [0, 3456], sizes = [2048, 128], strides = [1, 1]} : vector<2048x16384xf32> to vector<2048x128xf32>
    %sub3A_230 = arith.subf %slice3A_228, %slice3A_229 : vector<2048x128xf32>
    %lt3A_231 = arith.cmpf olt, %sub3A_230, %min3A_224 : vector<2048x128xf32>
    %min3A_232 = arith.minimumf %min3A_224, %sub3A_230 : vector<2048x128xf32>
    %jit3A_233 = arith.constant 27 : i32
    %broadcast_in_dim3A_234 = vector.broadcast %jit3A_233 : i32 to vector<2048x128xi32>
    %select_n3A_235 = arith.select %lt3A_231, %broadcast_in_dim3A_234, %select_n3A_227 : vector<2048x128xi1>, vector<2048x128xi32>
    %slice3A_236 = vector.extract_strided_slice %add3A_13 {offsets = [0, 3584], sizes = [2048, 128], strides = [1, 1]} : vector<2048x16384xf32> to vector<2048x128xf32>
    %slice3A_237 = vector.extract_strided_slice %dot_general3A_5 {offsets = [0, 3584], sizes = [2048, 128], strides = [1, 1]} : vector<2048x16384xf32> to vector<2048x128xf32>
    %sub3A_238 = arith.subf %slice3A_236, %slice3A_237 : vector<2048x128xf32>
    %lt3A_239 = arith.cmpf olt, %sub3A_238, %min3A_232 : vector<2048x128xf32>
    %min3A_240 = arith.minimumf %min3A_232, %sub3A_238 : vector<2048x128xf32>
    %jit3A_241 = arith.constant 28 : i32
    %broadcast_in_dim3A_242 = vector.broadcast %jit3A_241 : i32 to vector<2048x128xi32>
    %select_n3A_243 = arith.select %lt3A_239, %broadcast_in_dim3A_242, %select_n3A_235 : vector<2048x128xi1>, vector<2048x128xi32>
    %slice3A_244 = vector.extract_strided_slice %add3A_13 {offsets = [0, 3712], sizes = [2048, 128], strides = [1, 1]} : vector<2048x16384xf32> to vector<2048x128xf32>
    %slice3A_245 = vector.extract_strided_slice %dot_general3A_5 {offsets = [0, 3712], sizes = [2048, 128], strides = [1, 1]} : vector<2048x16384xf32> to vector<2048x128xf32>
    %sub3A_246 = arith.subf %slice3A_244, %slice3A_245 : vector<2048x128xf32>
    %lt3A_247 = arith.cmpf olt, %sub3A_246, %min3A_240 : vector<2048x128xf32>
    %min3A_248 = arith.minimumf %min3A_240, %sub3A_246 : vector<2048x128xf32>
    %jit3A_249 = arith.constant 29 : i32
    %broadcast_in_dim3A_250 = vector.broadcast %jit3A_249 : i32 to vector<2048x128xi32>
    %select_n3A_251 = arith.select %lt3A_247, %broadcast_in_dim3A_250, %select_n3A_243 : vector<2048x128xi1>, vector<2048x128xi32>
    %slice3A_252 = vector.extract_strided_slice %add3A_13 {offsets = [0, 3840], sizes = [2048, 128], strides = [1, 1]} : vector<2048x16384xf32> to vector<2048x128xf32>
    %slice3A_253 = vector.extract_strided_slice %dot_general3A_5 {offsets = [0, 3840], sizes = [2048, 128], strides = [1, 1]} : vector<2048x16384xf32> to vector<2048x128xf32>
    %sub3A_254 = arith.subf %slice3A_252, %slice3A_253 : vector<2048x128xf32>
    %lt3A_255 = arith.cmpf olt, %sub3A_254, %min3A_248 : vector<2048x128xf32>
    %min3A_256 = arith.minimumf %min3A_248, %sub3A_254 : vector<2048x128xf32>
    %jit3A_257 = arith.constant 30 : i32
    %broadcast_in_dim3A_258 = vector.broadcast %jit3A_257 : i32 to vector<2048x128xi32>
    %select_n3A_259 = arith.select %lt3A_255, %broadcast_in_dim3A_258, %select_n3A_251 : vector<2048x128xi1>, vector<2048x128xi32>
    %slice3A_260 = vector.extract_strided_slice %add3A_13 {offsets = [0, 3968], sizes = [2048, 128], strides = [1, 1]} : vector<2048x16384xf32> to vector<2048x128xf32>
    %slice3A_261 = vector.extract_strided_slice %dot_general3A_5 {offsets = [0, 3968], sizes = [2048, 128], strides = [1, 1]} : vector<2048x16384xf32> to vector<2048x128xf32>
    %sub3A_262 = arith.subf %slice3A_260, %slice3A_261 : vector<2048x128xf32>
    %lt3A_263 = arith.cmpf olt, %sub3A_262, %min3A_256 : vector<2048x128xf32>
    %min3A_264 = arith.minimumf %min3A_256, %sub3A_262 : vector<2048x128xf32>
    %jit3A_265 = arith.constant 31 : i32
    %broadcast_in_dim3A_266 = vector.broadcast %jit3A_265 : i32 to vector<2048x128xi32>
    %select_n3A_267 = arith.select %lt3A_263, %broadcast_in_dim3A_266, %select_n3A_259 : vector<2048x128xi1>, vector<2048x128xi32>
    %slice3A_268 = vector.extract_strided_slice %add3A_13 {offsets = [0, 4096], sizes = [2048, 128], strides = [1, 1]} : vector<2048x16384xf32> to vector<2048x128xf32>
    %slice3A_269 = vector.extract_strided_slice %dot_general3A_5 {offsets = [0, 4096], sizes = [2048, 128], strides = [1, 1]} : vector<2048x16384xf32> to vector<2048x128xf32>
    %sub3A_270 = arith.subf %slice3A_268, %slice3A_269 : vector<2048x128xf32>
    %lt3A_271 = arith.cmpf olt, %sub3A_270, %min3A_264 : vector<2048x128xf32>
    %min3A_272 = arith.minimumf %min3A_264, %sub3A_270 : vector<2048x128xf32>
    %jit3A_273 = arith.constant 32 : i32
    %broadcast_in_dim3A_274 = vector.broadcast %jit3A_273 : i32 to vector<2048x128xi32>
    %select_n3A_275 = arith.select %lt3A_271, %broadcast_in_dim3A_274, %select_n3A_267 : vector<2048x128xi1>, vector<2048x128xi32>
    %slice3A_276 = vector.extract_strided_slice %add3A_13 {offsets = [0, 4224], sizes = [2048, 128], strides = [1, 1]} : vector<2048x16384xf32> to vector<2048x128xf32>
    %slice3A_277 = vector.extract_strided_slice %dot_general3A_5 {offsets = [0, 4224], sizes = [2048, 128], strides = [1, 1]} : vector<2048x16384xf32> to vector<2048x128xf32>
    %sub3A_278 = arith.subf %slice3A_276, %slice3A_277 : vector<2048x128xf32>
    %lt3A_279 = arith.cmpf olt, %sub3A_278, %min3A_272 : vector<2048x128xf32>
    %min3A_280 = arith.minimumf %min3A_272, %sub3A_278 : vector<2048x128xf32>
    %jit3A_281 = arith.constant 33 : i32
    %broadcast_in_dim3A_282 = vector.broadcast %jit3A_281 : i32 to vector<2048x128xi32>
    %select_n3A_283 = arith.select %lt3A_279, %broadcast_in_dim3A_282, %select_n3A_275 : vector<2048x128xi1>, vector<2048x128xi32>
    %slice3A_284 = vector.extract_strided_slice %add3A_13 {offsets = [0, 4352], sizes = [2048, 128], strides = [1, 1]} : vector<2048x16384xf32> to vector<2048x128xf32>
    %slice3A_285 = vector.extract_strided_slice %dot_general3A_5 {offsets = [0, 4352], sizes = [2048, 128], strides = [1, 1]} : vector<2048x16384xf32> to vector<2048x128xf32>
    %sub3A_286 = arith.subf %slice3A_284, %slice3A_285 : vector<2048x128xf32>
    %lt3A_287 = arith.cmpf olt, %sub3A_286, %min3A_280 : vector<2048x128xf32>
    %min3A_288 = arith.minimumf %min3A_280, %sub3A_286 : vector<2048x128xf32>
    %jit3A_289 = arith.constant 34 : i32
    %broadcast_in_dim3A_290 = vector.broadcast %jit3A_289 : i32 to vector<2048x128xi32>
    %select_n3A_291 = arith.select %lt3A_287, %broadcast_in_dim3A_290, %select_n3A_283 : vector<2048x128xi1>, vector<2048x128xi32>
    %slice3A_292 = vector.extract_strided_slice %add3A_13 {offsets = [0, 4480], sizes = [2048, 128], strides = [1, 1]} : vector<2048x16384xf32> to vector<2048x128xf32>
    %slice3A_293 = vector.extract_strided_slice %dot_general3A_5 {offsets = [0, 4480], sizes = [2048, 128], strides = [1, 1]} : vector<2048x16384xf32> to vector<2048x128xf32>
    %sub3A_294 = arith.subf %slice3A_292, %slice3A_293 : vector<2048x128xf32>
    %lt3A_295 = arith.cmpf olt, %sub3A_294, %min3A_288 : vector<2048x128xf32>
    %min3A_296 = arith.minimumf %min3A_288, %sub3A_294 : vector<2048x128xf32>
    %jit3A_297 = arith.constant 35 : i32
    %broadcast_in_dim3A_298 = vector.broadcast %jit3A_297 : i32 to vector<2048x128xi32>
    %select_n3A_299 = arith.select %lt3A_295, %broadcast_in_dim3A_298, %select_n3A_291 : vector<2048x128xi1>, vector<2048x128xi32>
    %slice3A_300 = vector.extract_strided_slice %add3A_13 {offsets = [0, 4608], sizes = [2048, 128], strides = [1, 1]} : vector<2048x16384xf32> to vector<2048x128xf32>
    %slice3A_301 = vector.extract_strided_slice %dot_general3A_5 {offsets = [0, 4608], sizes = [2048, 128], strides = [1, 1]} : vector<2048x16384xf32> to vector<2048x128xf32>
    %sub3A_302 = arith.subf %slice3A_300, %slice3A_301 : vector<2048x128xf32>
    %lt3A_303 = arith.cmpf olt, %sub3A_302, %min3A_296 : vector<2048x128xf32>
    %min3A_304 = arith.minimumf %min3A_296, %sub3A_302 : vector<2048x128xf32>
    %jit3A_305 = arith.constant 36 : i32
    %broadcast_in_dim3A_306 = vector.broadcast %jit3A_305 : i32 to vector<2048x128xi32>
    %select_n3A_307 = arith.select %lt3A_303, %broadcast_in_dim3A_306, %select_n3A_299 : vector<2048x128xi1>, vector<2048x128xi32>
    %slice3A_308 = vector.extract_strided_slice %add3A_13 {offsets = [0, 4736], sizes = [2048, 128], strides = [1, 1]} : vector<2048x16384xf32> to vector<2048x128xf32>
    %slice3A_309 = vector.extract_strided_slice %dot_general3A_5 {offsets = [0, 4736], sizes = [2048, 128], strides = [1, 1]} : vector<2048x16384xf32> to vector<2048x128xf32>
    %sub3A_310 = arith.subf %slice3A_308, %slice3A_309 : vector<2048x128xf32>
    %lt3A_311 = arith.cmpf olt, %sub3A_310, %min3A_304 : vector<2048x128xf32>
    %min3A_312 = arith.minimumf %min3A_304, %sub3A_310 : vector<2048x128xf32>
    %jit3A_313 = arith.constant 37 : i32
    %broadcast_in_dim3A_314 = vector.broadcast %jit3A_313 : i32 to vector<2048x128xi32>
    %select_n3A_315 = arith.select %lt3A_311, %broadcast_in_dim3A_314, %select_n3A_307 : vector<2048x128xi1>, vector<2048x128xi32>
    %slice3A_316 = vector.extract_strided_slice %add3A_13 {offsets = [0, 4864], sizes = [2048, 128], strides = [1, 1]} : vector<2048x16384xf32> to vector<2048x128xf32>
    %slice3A_317 = vector.extract_strided_slice %dot_general3A_5 {offsets = [0, 4864], sizes = [2048, 128], strides = [1, 1]} : vector<2048x16384xf32> to vector<2048x128xf32>
    %sub3A_318 = arith.subf %slice3A_316, %slice3A_317 : vector<2048x128xf32>
    %lt3A_319 = arith.cmpf olt, %sub3A_318, %min3A_312 : vector<2048x128xf32>
    %min3A_320 = arith.minimumf %min3A_312, %sub3A_318 : vector<2048x128xf32>
    %jit3A_321 = arith.constant 38 : i32
    %broadcast_in_dim3A_322 = vector.broadcast %jit3A_321 : i32 to vector<2048x128xi32>
    %select_n3A_323 = arith.select %lt3A_319, %broadcast_in_dim3A_322, %select_n3A_315 : vector<2048x128xi1>, vector<2048x128xi32>
    %slice3A_324 = vector.extract_strided_slice %add3A_13 {offsets = [0, 4992], sizes = [2048, 128], strides = [1, 1]} : vector<2048x16384xf32> to vector<2048x128xf32>
    %slice3A_325 = vector.extract_strided_slice %dot_general3A_5 {offsets = [0, 4992], sizes = [2048, 128], strides = [1, 1]} : vector<2048x16384xf32> to vector<2048x128xf32>
    %sub3A_326 = arith.subf %slice3A_324, %slice3A_325 : vector<2048x128xf32>
    %lt3A_327 = arith.cmpf olt, %sub3A_326, %min3A_320 : vector<2048x128xf32>
    %min3A_328 = arith.minimumf %min3A_320, %sub3A_326 : vector<2048x128xf32>
    %jit3A_329 = arith.constant 39 : i32
    %broadcast_in_dim3A_330 = vector.broadcast %jit3A_329 : i32 to vector<2048x128xi32>
    %select_n3A_331 = arith.select %lt3A_327, %broadcast_in_dim3A_330, %select_n3A_323 : vector<2048x128xi1>, vector<2048x128xi32>
    %slice3A_332 = vector.extract_strided_slice %add3A_13 {offsets = [0, 5120], sizes = [2048, 128], strides = [1, 1]} : vector<2048x16384xf32> to vector<2048x128xf32>
    %slice3A_333 = vector.extract_strided_slice %dot_general3A_5 {offsets = [0, 5120], sizes = [2048, 128], strides = [1, 1]} : vector<2048x16384xf32> to vector<2048x128xf32>
    %sub3A_334 = arith.subf %slice3A_332, %slice3A_333 : vector<2048x128xf32>
    %lt3A_335 = arith.cmpf olt, %sub3A_334, %min3A_328 : vector<2048x128xf32>
    %min3A_336 = arith.minimumf %min3A_328, %sub3A_334 : vector<2048x128xf32>
    %jit3A_337 = arith.constant 40 : i32
    %broadcast_in_dim3A_338 = vector.broadcast %jit3A_337 : i32 to vector<2048x128xi32>
    %select_n3A_339 = arith.select %lt3A_335, %broadcast_in_dim3A_338, %select_n3A_331 : vector<2048x128xi1>, vector<2048x128xi32>
    %slice3A_340 = vector.extract_strided_slice %add3A_13 {offsets = [0, 5248], sizes = [2048, 128], strides = [1, 1]} : vector<2048x16384xf32> to vector<2048x128xf32>
    %slice3A_341 = vector.extract_strided_slice %dot_general3A_5 {offsets = [0, 5248], sizes = [2048, 128], strides = [1, 1]} : vector<2048x16384xf32> to vector<2048x128xf32>
    %sub3A_342 = arith.subf %slice3A_340, %slice3A_341 : vector<2048x128xf32>
    %lt3A_343 = arith.cmpf olt, %sub3A_342, %min3A_336 : vector<2048x128xf32>
    %min3A_344 = arith.minimumf %min3A_336, %sub3A_342 : vector<2048x128xf32>
    %jit3A_345 = arith.constant 41 : i32
    %broadcast_in_dim3A_346 = vector.broadcast %jit3A_345 : i32 to vector<2048x128xi32>
    %select_n3A_347 = arith.select %lt3A_343, %broadcast_in_dim3A_346, %select_n3A_339 : vector<2048x128xi1>, vector<2048x128xi32>
    %slice3A_348 = vector.extract_strided_slice %add3A_13 {offsets = [0, 5376], sizes = [2048, 128], strides = [1, 1]} : vector<2048x16384xf32> to vector<2048x128xf32>
    %slice3A_349 = vector.extract_strided_slice %dot_general3A_5 {offsets = [0, 5376], sizes = [2048, 128], strides = [1, 1]} : vector<2048x16384xf32> to vector<2048x128xf32>
    %sub3A_350 = arith.subf %slice3A_348, %slice3A_349 : vector<2048x128xf32>
    %lt3A_351 = arith.cmpf olt, %sub3A_350, %min3A_344 : vector<2048x128xf32>
    %min3A_352 = arith.minimumf %min3A_344, %sub3A_350 : vector<2048x128xf32>
    %jit3A_353 = arith.constant 42 : i32
    %broadcast_in_dim3A_354 = vector.broadcast %jit3A_353 : i32 to vector<2048x128xi32>
    %select_n3A_355 = arith.select %lt3A_351, %broadcast_in_dim3A_354, %select_n3A_347 : vector<2048x128xi1>, vector<2048x128xi32>
    %slice3A_356 = vector.extract_strided_slice %add3A_13 {offsets = [0, 5504], sizes = [2048, 128], strides = [1, 1]} : vector<2048x16384xf32> to vector<2048x128xf32>
    %slice3A_357 = vector.extract_strided_slice %dot_general3A_5 {offsets = [0, 5504], sizes = [2048, 128], strides = [1, 1]} : vector<2048x16384xf32> to vector<2048x128xf32>
    %sub3A_358 = arith.subf %slice3A_356, %slice3A_357 : vector<2048x128xf32>
    %lt3A_359 = arith.cmpf olt, %sub3A_358, %min3A_352 : vector<2048x128xf32>
    %min3A_360 = arith.minimumf %min3A_352, %sub3A_358 : vector<2048x128xf32>
    %jit3A_361 = arith.constant 43 : i32
    %broadcast_in_dim3A_362 = vector.broadcast %jit3A_361 : i32 to vector<2048x128xi32>
    %select_n3A_363 = arith.select %lt3A_359, %broadcast_in_dim3A_362, %select_n3A_355 : vector<2048x128xi1>, vector<2048x128xi32>
    %slice3A_364 = vector.extract_strided_slice %add3A_13 {offsets = [0, 5632], sizes = [2048, 128], strides = [1, 1]} : vector<2048x16384xf32> to vector<2048x128xf32>
    %slice3A_365 = vector.extract_strided_slice %dot_general3A_5 {offsets = [0, 5632], sizes = [2048, 128], strides = [1, 1]} : vector<2048x16384xf32> to vector<2048x128xf32>
    %sub3A_366 = arith.subf %slice3A_364, %slice3A_365 : vector<2048x128xf32>
    %lt3A_367 = arith.cmpf olt, %sub3A_366, %min3A_360 : vector<2048x128xf32>
    %min3A_368 = arith.minimumf %min3A_360, %sub3A_366 : vector<2048x128xf32>
    %jit3A_369 = arith.constant 44 : i32
    %broadcast_in_dim3A_370 = vector.broadcast %jit3A_369 : i32 to vector<2048x128xi32>
    %select_n3A_371 = arith.select %lt3A_367, %broadcast_in_dim3A_370, %select_n3A_363 : vector<2048x128xi1>, vector<2048x128xi32>
    %slice3A_372 = vector.extract_strided_slice %add3A_13 {offsets = [0, 5760], sizes = [2048, 128], strides = [1, 1]} : vector<2048x16384xf32> to vector<2048x128xf32>
    %slice3A_373 = vector.extract_strided_slice %dot_general3A_5 {offsets = [0, 5760], sizes = [2048, 128], strides = [1, 1]} : vector<2048x16384xf32> to vector<2048x128xf32>
    %sub3A_374 = arith.subf %slice3A_372, %slice3A_373 : vector<2048x128xf32>
    %lt3A_375 = arith.cmpf olt, %sub3A_374, %min3A_368 : vector<2048x128xf32>
    %min3A_376 = arith.minimumf %min3A_368, %sub3A_374 : vector<2048x128xf32>
    %jit3A_377 = arith.constant 45 : i32
    %broadcast_in_dim3A_378 = vector.broadcast %jit3A_377 : i32 to vector<2048x128xi32>
    %select_n3A_379 = arith.select %lt3A_375, %broadcast_in_dim3A_378, %select_n3A_371 : vector<2048x128xi1>, vector<2048x128xi32>
    %slice3A_380 = vector.extract_strided_slice %add3A_13 {offsets = [0, 5888], sizes = [2048, 128], strides = [1, 1]} : vector<2048x16384xf32> to vector<2048x128xf32>
    %slice3A_381 = vector.extract_strided_slice %dot_general3A_5 {offsets = [0, 5888], sizes = [2048, 128], strides = [1, 1]} : vector<2048x16384xf32> to vector<2048x128xf32>
    %sub3A_382 = arith.subf %slice3A_380, %slice3A_381 : vector<2048x128xf32>
    %lt3A_383 = arith.cmpf olt, %sub3A_382, %min3A_376 : vector<2048x128xf32>
    %min3A_384 = arith.minimumf %min3A_376, %sub3A_382 : vector<2048x128xf32>
    %jit3A_385 = arith.constant 46 : i32
    %broadcast_in_dim3A_386 = vector.broadcast %jit3A_385 : i32 to vector<2048x128xi32>
    %select_n3A_387 = arith.select %lt3A_383, %broadcast_in_dim3A_386, %select_n3A_379 : vector<2048x128xi1>, vector<2048x128xi32>
    %slice3A_388 = vector.extract_strided_slice %add3A_13 {offsets = [0, 6016], sizes = [2048, 128], strides = [1, 1]} : vector<2048x16384xf32> to vector<2048x128xf32>
    %slice3A_389 = vector.extract_strided_slice %dot_general3A_5 {offsets = [0, 6016], sizes = [2048, 128], strides = [1, 1]} : vector<2048x16384xf32> to vector<2048x128xf32>
    %sub3A_390 = arith.subf %slice3A_388, %slice3A_389 : vector<2048x128xf32>
    %lt3A_391 = arith.cmpf olt, %sub3A_390, %min3A_384 : vector<2048x128xf32>
    %min3A_392 = arith.minimumf %min3A_384, %sub3A_390 : vector<2048x128xf32>
    %jit3A_393 = arith.constant 47 : i32
    %broadcast_in_dim3A_394 = vector.broadcast %jit3A_393 : i32 to vector<2048x128xi32>
    %select_n3A_395 = arith.select %lt3A_391, %broadcast_in_dim3A_394, %select_n3A_387 : vector<2048x128xi1>, vector<2048x128xi32>
    %slice3A_396 = vector.extract_strided_slice %add3A_13 {offsets = [0, 6144], sizes = [2048, 128], strides = [1, 1]} : vector<2048x16384xf32> to vector<2048x128xf32>
    %slice3A_397 = vector.extract_strided_slice %dot_general3A_5 {offsets = [0, 6144], sizes = [2048, 128], strides = [1, 1]} : vector<2048x16384xf32> to vector<2048x128xf32>
    %sub3A_398 = arith.subf %slice3A_396, %slice3A_397 : vector<2048x128xf32>
    %lt3A_399 = arith.cmpf olt, %sub3A_398, %min3A_392 : vector<2048x128xf32>
    %min3A_400 = arith.minimumf %min3A_392, %sub3A_398 : vector<2048x128xf32>
    %jit3A_401 = arith.constant 48 : i32
    %broadcast_in_dim3A_402 = vector.broadcast %jit3A_401 : i32 to vector<2048x128xi32>
    %select_n3A_403 = arith.select %lt3A_399, %broadcast_in_dim3A_402, %select_n3A_395 : vector<2048x128xi1>, vector<2048x128xi32>
    %slice3A_404 = vector.extract_strided_slice %add3A_13 {offsets = [0, 6272], sizes = [2048, 128], strides = [1, 1]} : vector<2048x16384xf32> to vector<2048x128xf32>
    %slice3A_405 = vector.extract_strided_slice %dot_general3A_5 {offsets = [0, 6272], sizes = [2048, 128], strides = [1, 1]} : vector<2048x16384xf32> to vector<2048x128xf32>
    %sub3A_406 = arith.subf %slice3A_404, %slice3A_405 : vector<2048x128xf32>
    %lt3A_407 = arith.cmpf olt, %sub3A_406, %min3A_400 : vector<2048x128xf32>
    %min3A_408 = arith.minimumf %min3A_400, %sub3A_406 : vector<2048x128xf32>
    %jit3A_409 = arith.constant 49 : i32
    %broadcast_in_dim3A_410 = vector.broadcast %jit3A_409 : i32 to vector<2048x128xi32>
    %select_n3A_411 = arith.select %lt3A_407, %broadcast_in_dim3A_410, %select_n3A_403 : vector<2048x128xi1>, vector<2048x128xi32>
    %slice3A_412 = vector.extract_strided_slice %add3A_13 {offsets = [0, 6400], sizes = [2048, 128], strides = [1, 1]} : vector<2048x16384xf32> to vector<2048x128xf32>
    %slice3A_413 = vector.extract_strided_slice %dot_general3A_5 {offsets = [0, 6400], sizes = [2048, 128], strides = [1, 1]} : vector<2048x16384xf32> to vector<2048x128xf32>
    %sub3A_414 = arith.subf %slice3A_412, %slice3A_413 : vector<2048x128xf32>
    %lt3A_415 = arith.cmpf olt, %sub3A_414, %min3A_408 : vector<2048x128xf32>
    %min3A_416 = arith.minimumf %min3A_408, %sub3A_414 : vector<2048x128xf32>
    %jit3A_417 = arith.constant 50 : i32
    %broadcast_in_dim3A_418 = vector.broadcast %jit3A_417 : i32 to vector<2048x128xi32>
    %select_n3A_419 = arith.select %lt3A_415, %broadcast_in_dim3A_418, %select_n3A_411 : vector<2048x128xi1>, vector<2048x128xi32>
    %slice3A_420 = vector.extract_strided_slice %add3A_13 {offsets = [0, 6528], sizes = [2048, 128], strides = [1, 1]} : vector<2048x16384xf32> to vector<2048x128xf32>
    %slice3A_421 = vector.extract_strided_slice %dot_general3A_5 {offsets = [0, 6528], sizes = [2048, 128], strides = [1, 1]} : vector<2048x16384xf32> to vector<2048x128xf32>
    %sub3A_422 = arith.subf %slice3A_420, %slice3A_421 : vector<2048x128xf32>
    %lt3A_423 = arith.cmpf olt, %sub3A_422, %min3A_416 : vector<2048x128xf32>
    %min3A_424 = arith.minimumf %min3A_416, %sub3A_422 : vector<2048x128xf32>
    %jit3A_425 = arith.constant 51 : i32
    %broadcast_in_dim3A_426 = vector.broadcast %jit3A_425 : i32 to vector<2048x128xi32>
    %select_n3A_427 = arith.select %lt3A_423, %broadcast_in_dim3A_426, %select_n3A_419 : vector<2048x128xi1>, vector<2048x128xi32>
    %slice3A_428 = vector.extract_strided_slice %add3A_13 {offsets = [0, 6656], sizes = [2048, 128], strides = [1, 1]} : vector<2048x16384xf32> to vector<2048x128xf32>
    %slice3A_429 = vector.extract_strided_slice %dot_general3A_5 {offsets = [0, 6656], sizes = [2048, 128], strides = [1, 1]} : vector<2048x16384xf32> to vector<2048x128xf32>
    %sub3A_430 = arith.subf %slice3A_428, %slice3A_429 : vector<2048x128xf32>
    %lt3A_431 = arith.cmpf olt, %sub3A_430, %min3A_424 : vector<2048x128xf32>
    %min3A_432 = arith.minimumf %min3A_424, %sub3A_430 : vector<2048x128xf32>
    %jit3A_433 = arith.constant 52 : i32
    %broadcast_in_dim3A_434 = vector.broadcast %jit3A_433 : i32 to vector<2048x128xi32>
    %select_n3A_435 = arith.select %lt3A_431, %broadcast_in_dim3A_434, %select_n3A_427 : vector<2048x128xi1>, vector<2048x128xi32>
    %slice3A_436 = vector.extract_strided_slice %add3A_13 {offsets = [0, 6784], sizes = [2048, 128], strides = [1, 1]} : vector<2048x16384xf32> to vector<2048x128xf32>
    %slice3A_437 = vector.extract_strided_slice %dot_general3A_5 {offsets = [0, 6784], sizes = [2048, 128], strides = [1, 1]} : vector<2048x16384xf32> to vector<2048x128xf32>
    %sub3A_438 = arith.subf %slice3A_436, %slice3A_437 : vector<2048x128xf32>
    %lt3A_439 = arith.cmpf olt, %sub3A_438, %min3A_432 : vector<2048x128xf32>
    %min3A_440 = arith.minimumf %min3A_432, %sub3A_438 : vector<2048x128xf32>
    %jit3A_441 = arith.constant 53 : i32
    %broadcast_in_dim3A_442 = vector.broadcast %jit3A_441 : i32 to vector<2048x128xi32>
    %select_n3A_443 = arith.select %lt3A_439, %broadcast_in_dim3A_442, %select_n3A_435 : vector<2048x128xi1>, vector<2048x128xi32>
    %slice3A_444 = vector.extract_strided_slice %add3A_13 {offsets = [0, 6912], sizes = [2048, 128], strides = [1, 1]} : vector<2048x16384xf32> to vector<2048x128xf32>
    %slice3A_445 = vector.extract_strided_slice %dot_general3A_5 {offsets = [0, 6912], sizes = [2048, 128], strides = [1, 1]} : vector<2048x16384xf32> to vector<2048x128xf32>
    %sub3A_446 = arith.subf %slice3A_444, %slice3A_445 : vector<2048x128xf32>
    %lt3A_447 = arith.cmpf olt, %sub3A_446, %min3A_440 : vector<2048x128xf32>
    %min3A_448 = arith.minimumf %min3A_440, %sub3A_446 : vector<2048x128xf32>
    %jit3A_449 = arith.constant 54 : i32
    %broadcast_in_dim3A_450 = vector.broadcast %jit3A_449 : i32 to vector<2048x128xi32>
    %select_n3A_451 = arith.select %lt3A_447, %broadcast_in_dim3A_450, %select_n3A_443 : vector<2048x128xi1>, vector<2048x128xi32>
    %slice3A_452 = vector.extract_strided_slice %add3A_13 {offsets = [0, 7040], sizes = [2048, 128], strides = [1, 1]} : vector<2048x16384xf32> to vector<2048x128xf32>
    %slice3A_453 = vector.extract_strided_slice %dot_general3A_5 {offsets = [0, 7040], sizes = [2048, 128], strides = [1, 1]} : vector<2048x16384xf32> to vector<2048x128xf32>
    %sub3A_454 = arith.subf %slice3A_452, %slice3A_453 : vector<2048x128xf32>
    %lt3A_455 = arith.cmpf olt, %sub3A_454, %min3A_448 : vector<2048x128xf32>
    %min3A_456 = arith.minimumf %min3A_448, %sub3A_454 : vector<2048x128xf32>
    %jit3A_457 = arith.constant 55 : i32
    %broadcast_in_dim3A_458 = vector.broadcast %jit3A_457 : i32 to vector<2048x128xi32>
    %select_n3A_459 = arith.select %lt3A_455, %broadcast_in_dim3A_458, %select_n3A_451 : vector<2048x128xi1>, vector<2048x128xi32>
    %slice3A_460 = vector.extract_strided_slice %add3A_13 {offsets = [0, 7168], sizes = [2048, 128], strides = [1, 1]} : vector<2048x16384xf32> to vector<2048x128xf32>
    %slice3A_461 = vector.extract_strided_slice %dot_general3A_5 {offsets = [0, 7168], sizes = [2048, 128], strides = [1, 1]} : vector<2048x16384xf32> to vector<2048x128xf32>
    %sub3A_462 = arith.subf %slice3A_460, %slice3A_461 : vector<2048x128xf32>
    %lt3A_463 = arith.cmpf olt, %sub3A_462, %min3A_456 : vector<2048x128xf32>
    %min3A_464 = arith.minimumf %min3A_456, %sub3A_462 : vector<2048x128xf32>
    %jit3A_465 = arith.constant 56 : i32
    %broadcast_in_dim3A_466 = vector.broadcast %jit3A_465 : i32 to vector<2048x128xi32>
    %select_n3A_467 = arith.select %lt3A_463, %broadcast_in_dim3A_466, %select_n3A_459 : vector<2048x128xi1>, vector<2048x128xi32>
    %slice3A_468 = vector.extract_strided_slice %add3A_13 {offsets = [0, 7296], sizes = [2048, 128], strides = [1, 1]} : vector<2048x16384xf32> to vector<2048x128xf32>
    %slice3A_469 = vector.extract_strided_slice %dot_general3A_5 {offsets = [0, 7296], sizes = [2048, 128], strides = [1, 1]} : vector<2048x16384xf32> to vector<2048x128xf32>
    %sub3A_470 = arith.subf %slice3A_468, %slice3A_469 : vector<2048x128xf32>
    %lt3A_471 = arith.cmpf olt, %sub3A_470, %min3A_464 : vector<2048x128xf32>
    %min3A_472 = arith.minimumf %min3A_464, %sub3A_470 : vector<2048x128xf32>
    %jit3A_473 = arith.constant 57 : i32
    %broadcast_in_dim3A_474 = vector.broadcast %jit3A_473 : i32 to vector<2048x128xi32>
    %select_n3A_475 = arith.select %lt3A_471, %broadcast_in_dim3A_474, %select_n3A_467 : vector<2048x128xi1>, vector<2048x128xi32>
    %slice3A_476 = vector.extract_strided_slice %add3A_13 {offsets = [0, 7424], sizes = [2048, 128], strides = [1, 1]} : vector<2048x16384xf32> to vector<2048x128xf32>
    %slice3A_477 = vector.extract_strided_slice %dot_general3A_5 {offsets = [0, 7424], sizes = [2048, 128], strides = [1, 1]} : vector<2048x16384xf32> to vector<2048x128xf32>
    %sub3A_478 = arith.subf %slice3A_476, %slice3A_477 : vector<2048x128xf32>
    %lt3A_479 = arith.cmpf olt, %sub3A_478, %min3A_472 : vector<2048x128xf32>
    %min3A_480 = arith.minimumf %min3A_472, %sub3A_478 : vector<2048x128xf32>
    %jit3A_481 = arith.constant 58 : i32
    %broadcast_in_dim3A_482 = vector.broadcast %jit3A_481 : i32 to vector<2048x128xi32>
    %select_n3A_483 = arith.select %lt3A_479, %broadcast_in_dim3A_482, %select_n3A_475 : vector<2048x128xi1>, vector<2048x128xi32>
    %slice3A_484 = vector.extract_strided_slice %add3A_13 {offsets = [0, 7552], sizes = [2048, 128], strides = [1, 1]} : vector<2048x16384xf32> to vector<2048x128xf32>
    %slice3A_485 = vector.extract_strided_slice %dot_general3A_5 {offsets = [0, 7552], sizes = [2048, 128], strides = [1, 1]} : vector<2048x16384xf32> to vector<2048x128xf32>
    %sub3A_486 = arith.subf %slice3A_484, %slice3A_485 : vector<2048x128xf32>
    %lt3A_487 = arith.cmpf olt, %sub3A_486, %min3A_480 : vector<2048x128xf32>
    %min3A_488 = arith.minimumf %min3A_480, %sub3A_486 : vector<2048x128xf32>
    %jit3A_489 = arith.constant 59 : i32
    %broadcast_in_dim3A_490 = vector.broadcast %jit3A_489 : i32 to vector<2048x128xi32>
    %select_n3A_491 = arith.select %lt3A_487, %broadcast_in_dim3A_490, %select_n3A_483 : vector<2048x128xi1>, vector<2048x128xi32>
    %slice3A_492 = vector.extract_strided_slice %add3A_13 {offsets = [0, 7680], sizes = [2048, 128], strides = [1, 1]} : vector<2048x16384xf32> to vector<2048x128xf32>
    %slice3A_493 = vector.extract_strided_slice %dot_general3A_5 {offsets = [0, 7680], sizes = [2048, 128], strides = [1, 1]} : vector<2048x16384xf32> to vector<2048x128xf32>
    %sub3A_494 = arith.subf %slice3A_492, %slice3A_493 : vector<2048x128xf32>
    %lt3A_495 = arith.cmpf olt, %sub3A_494, %min3A_488 : vector<2048x128xf32>
    %min3A_496 = arith.minimumf %min3A_488, %sub3A_494 : vector<2048x128xf32>
    %jit3A_497 = arith.constant 60 : i32
    %broadcast_in_dim3A_498 = vector.broadcast %jit3A_497 : i32 to vector<2048x128xi32>
    %select_n3A_499 = arith.select %lt3A_495, %broadcast_in_dim3A_498, %select_n3A_491 : vector<2048x128xi1>, vector<2048x128xi32>
    %slice3A_500 = vector.extract_strided_slice %add3A_13 {offsets = [0, 7808], sizes = [2048, 128], strides = [1, 1]} : vector<2048x16384xf32> to vector<2048x128xf32>
    %slice3A_501 = vector.extract_strided_slice %dot_general3A_5 {offsets = [0, 7808], sizes = [2048, 128], strides = [1, 1]} : vector<2048x16384xf32> to vector<2048x128xf32>
    %sub3A_502 = arith.subf %slice3A_500, %slice3A_501 : vector<2048x128xf32>
    %lt3A_503 = arith.cmpf olt, %sub3A_502, %min3A_496 : vector<2048x128xf32>
    %min3A_504 = arith.minimumf %min3A_496, %sub3A_502 : vector<2048x128xf32>
    %jit3A_505 = arith.constant 61 : i32
    %broadcast_in_dim3A_506 = vector.broadcast %jit3A_505 : i32 to vector<2048x128xi32>
    %select_n3A_507 = arith.select %lt3A_503, %broadcast_in_dim3A_506, %select_n3A_499 : vector<2048x128xi1>, vector<2048x128xi32>
    %slice3A_508 = vector.extract_strided_slice %add3A_13 {offsets = [0, 7936], sizes = [2048, 128], strides = [1, 1]} : vector<2048x16384xf32> to vector<2048x128xf32>
    %slice3A_509 = vector.extract_strided_slice %dot_general3A_5 {offsets = [0, 7936], sizes = [2048, 128], strides = [1, 1]} : vector<2048x16384xf32> to vector<2048x128xf32>
    %sub3A_510 = arith.subf %slice3A_508, %slice3A_509 : vector<2048x128xf32>
    %lt3A_511 = arith.cmpf olt, %sub3A_510, %min3A_504 : vector<2048x128xf32>
    %min3A_512 = arith.minimumf %min3A_504, %sub3A_510 : vector<2048x128xf32>
    %jit3A_513 = arith.constant 62 : i32
    %broadcast_in_dim3A_514 = vector.broadcast %jit3A_513 : i32 to vector<2048x128xi32>
    %select_n3A_515 = arith.select %lt3A_511, %broadcast_in_dim3A_514, %select_n3A_507 : vector<2048x128xi1>, vector<2048x128xi32>
    %slice3A_516 = vector.extract_strided_slice %add3A_13 {offsets = [0, 8064], sizes = [2048, 128], strides = [1, 1]} : vector<2048x16384xf32> to vector<2048x128xf32>
    %slice3A_517 = vector.extract_strided_slice %dot_general3A_5 {offsets = [0, 8064], sizes = [2048, 128], strides = [1, 1]} : vector<2048x16384xf32> to vector<2048x128xf32>
    %sub3A_518 = arith.subf %slice3A_516, %slice3A_517 : vector<2048x128xf32>
    %lt3A_519 = arith.cmpf olt, %sub3A_518, %min3A_512 : vector<2048x128xf32>
    %min3A_520 = arith.minimumf %min3A_512, %sub3A_518 : vector<2048x128xf32>
    %jit3A_521 = arith.constant 63 : i32
    %broadcast_in_dim3A_522 = vector.broadcast %jit3A_521 : i32 to vector<2048x128xi32>
    %select_n3A_523 = arith.select %lt3A_519, %broadcast_in_dim3A_522, %select_n3A_515 : vector<2048x128xi1>, vector<2048x128xi32>
    %slice3A_524 = vector.extract_strided_slice %add3A_13 {offsets = [0, 8192], sizes = [2048, 128], strides = [1, 1]} : vector<2048x16384xf32> to vector<2048x128xf32>
    %slice3A_525 = vector.extract_strided_slice %dot_general3A_5 {offsets = [0, 8192], sizes = [2048, 128], strides = [1, 1]} : vector<2048x16384xf32> to vector<2048x128xf32>
    %sub3A_526 = arith.subf %slice3A_524, %slice3A_525 : vector<2048x128xf32>
    %lt3A_527 = arith.cmpf olt, %sub3A_526, %min3A_520 : vector<2048x128xf32>
    %min3A_528 = arith.minimumf %min3A_520, %sub3A_526 : vector<2048x128xf32>
    %jit3A_529 = arith.constant 64 : i32
    %broadcast_in_dim3A_530 = vector.broadcast %jit3A_529 : i32 to vector<2048x128xi32>
    %select_n3A_531 = arith.select %lt3A_527, %broadcast_in_dim3A_530, %select_n3A_523 : vector<2048x128xi1>, vector<2048x128xi32>
    %slice3A_532 = vector.extract_strided_slice %add3A_13 {offsets = [0, 8320], sizes = [2048, 128], strides = [1, 1]} : vector<2048x16384xf32> to vector<2048x128xf32>
    %slice3A_533 = vector.extract_strided_slice %dot_general3A_5 {offsets = [0, 8320], sizes = [2048, 128], strides = [1, 1]} : vector<2048x16384xf32> to vector<2048x128xf32>
    %sub3A_534 = arith.subf %slice3A_532, %slice3A_533 : vector<2048x128xf32>
    %lt3A_535 = arith.cmpf olt, %sub3A_534, %min3A_528 : vector<2048x128xf32>
    %min3A_536 = arith.minimumf %min3A_528, %sub3A_534 : vector<2048x128xf32>
    %jit3A_537 = arith.constant 65 : i32
    %broadcast_in_dim3A_538 = vector.broadcast %jit3A_537 : i32 to vector<2048x128xi32>
    %select_n3A_539 = arith.select %lt3A_535, %broadcast_in_dim3A_538, %select_n3A_531 : vector<2048x128xi1>, vector<2048x128xi32>
    %slice3A_540 = vector.extract_strided_slice %add3A_13 {offsets = [0, 8448], sizes = [2048, 128], strides = [1, 1]} : vector<2048x16384xf32> to vector<2048x128xf32>
    %slice3A_541 = vector.extract_strided_slice %dot_general3A_5 {offsets = [0, 8448], sizes = [2048, 128], strides = [1, 1]} : vector<2048x16384xf32> to vector<2048x128xf32>
    %sub3A_542 = arith.subf %slice3A_540, %slice3A_541 : vector<2048x128xf32>
    %lt3A_543 = arith.cmpf olt, %sub3A_542, %min3A_536 : vector<2048x128xf32>
    %min3A_544 = arith.minimumf %min3A_536, %sub3A_542 : vector<2048x128xf32>
    %jit3A_545 = arith.constant 66 : i32
    %broadcast_in_dim3A_546 = vector.broadcast %jit3A_545 : i32 to vector<2048x128xi32>
    %select_n3A_547 = arith.select %lt3A_543, %broadcast_in_dim3A_546, %select_n3A_539 : vector<2048x128xi1>, vector<2048x128xi32>
    %slice3A_548 = vector.extract_strided_slice %add3A_13 {offsets = [0, 8576], sizes = [2048, 128], strides = [1, 1]} : vector<2048x16384xf32> to vector<2048x128xf32>
    %slice3A_549 = vector.extract_strided_slice %dot_general3A_5 {offsets = [0, 8576], sizes = [2048, 128], strides = [1, 1]} : vector<2048x16384xf32> to vector<2048x128xf32>
    %sub3A_550 = arith.subf %slice3A_548, %slice3A_549 : vector<2048x128xf32>
    %lt3A_551 = arith.cmpf olt, %sub3A_550, %min3A_544 : vector<2048x128xf32>
    %min3A_552 = arith.minimumf %min3A_544, %sub3A_550 : vector<2048x128xf32>
    %jit3A_553 = arith.constant 67 : i32
    %broadcast_in_dim3A_554 = vector.broadcast %jit3A_553 : i32 to vector<2048x128xi32>
    %select_n3A_555 = arith.select %lt3A_551, %broadcast_in_dim3A_554, %select_n3A_547 : vector<2048x128xi1>, vector<2048x128xi32>
    %slice3A_556 = vector.extract_strided_slice %add3A_13 {offsets = [0, 8704], sizes = [2048, 128], strides = [1, 1]} : vector<2048x16384xf32> to vector<2048x128xf32>
    %slice3A_557 = vector.extract_strided_slice %dot_general3A_5 {offsets = [0, 8704], sizes = [2048, 128], strides = [1, 1]} : vector<2048x16384xf32> to vector<2048x128xf32>
    %sub3A_558 = arith.subf %slice3A_556, %slice3A_557 : vector<2048x128xf32>
    %lt3A_559 = arith.cmpf olt, %sub3A_558, %min3A_552 : vector<2048x128xf32>
    %min3A_560 = arith.minimumf %min3A_552, %sub3A_558 : vector<2048x128xf32>
    %jit3A_561 = arith.constant 68 : i32
    %broadcast_in_dim3A_562 = vector.broadcast %jit3A_561 : i32 to vector<2048x128xi32>
    %select_n3A_563 = arith.select %lt3A_559, %broadcast_in_dim3A_562, %select_n3A_555 : vector<2048x128xi1>, vector<2048x128xi32>
    %slice3A_564 = vector.extract_strided_slice %add3A_13 {offsets = [0, 8832], sizes = [2048, 128], strides = [1, 1]} : vector<2048x16384xf32> to vector<2048x128xf32>
    %slice3A_565 = vector.extract_strided_slice %dot_general3A_5 {offsets = [0, 8832], sizes = [2048, 128], strides = [1, 1]} : vector<2048x16384xf32> to vector<2048x128xf32>
    %sub3A_566 = arith.subf %slice3A_564, %slice3A_565 : vector<2048x128xf32>
    %lt3A_567 = arith.cmpf olt, %sub3A_566, %min3A_560 : vector<2048x128xf32>
    %min3A_568 = arith.minimumf %min3A_560, %sub3A_566 : vector<2048x128xf32>
    %jit3A_569 = arith.constant 69 : i32
    %broadcast_in_dim3A_570 = vector.broadcast %jit3A_569 : i32 to vector<2048x128xi32>
    %select_n3A_571 = arith.select %lt3A_567, %broadcast_in_dim3A_570, %select_n3A_563 : vector<2048x128xi1>, vector<2048x128xi32>
    %slice3A_572 = vector.extract_strided_slice %add3A_13 {offsets = [0, 8960], sizes = [2048, 128], strides = [1, 1]} : vector<2048x16384xf32> to vector<2048x128xf32>
    %slice3A_573 = vector.extract_strided_slice %dot_general3A_5 {offsets = [0, 8960], sizes = [2048, 128], strides = [1, 1]} : vector<2048x16384xf32> to vector<2048x128xf32>
    %sub3A_574 = arith.subf %slice3A_572, %slice3A_573 : vector<2048x128xf32>
    %lt3A_575 = arith.cmpf olt, %sub3A_574, %min3A_568 : vector<2048x128xf32>
    %min3A_576 = arith.minimumf %min3A_568, %sub3A_574 : vector<2048x128xf32>
    %jit3A_577 = arith.constant 70 : i32
    %broadcast_in_dim3A_578 = vector.broadcast %jit3A_577 : i32 to vector<2048x128xi32>
    %select_n3A_579 = arith.select %lt3A_575, %broadcast_in_dim3A_578, %select_n3A_571 : vector<2048x128xi1>, vector<2048x128xi32>
    %slice3A_580 = vector.extract_strided_slice %add3A_13 {offsets = [0, 9088], sizes = [2048, 128], strides = [1, 1]} : vector<2048x16384xf32> to vector<2048x128xf32>
    %slice3A_581 = vector.extract_strided_slice %dot_general3A_5 {offsets = [0, 9088], sizes = [2048, 128], strides = [1, 1]} : vector<2048x16384xf32> to vector<2048x128xf32>
    %sub3A_582 = arith.subf %slice3A_580, %slice3A_581 : vector<2048x128xf32>
    %lt3A_583 = arith.cmpf olt, %sub3A_582, %min3A_576 : vector<2048x128xf32>
    %min3A_584 = arith.minimumf %min3A_576, %sub3A_582 : vector<2048x128xf32>
    %jit3A_585 = arith.constant 71 : i32
    %broadcast_in_dim3A_586 = vector.broadcast %jit3A_585 : i32 to vector<2048x128xi32>
    %select_n3A_587 = arith.select %lt3A_583, %broadcast_in_dim3A_586, %select_n3A_579 : vector<2048x128xi1>, vector<2048x128xi32>
    %slice3A_588 = vector.extract_strided_slice %add3A_13 {offsets = [0, 9216], sizes = [2048, 128], strides = [1, 1]} : vector<2048x16384xf32> to vector<2048x128xf32>
    %slice3A_589 = vector.extract_strided_slice %dot_general3A_5 {offsets = [0, 9216], sizes = [2048, 128], strides = [1, 1]} : vector<2048x16384xf32> to vector<2048x128xf32>
    %sub3A_590 = arith.subf %slice3A_588, %slice3A_589 : vector<2048x128xf32>
    %lt3A_591 = arith.cmpf olt, %sub3A_590, %min3A_584 : vector<2048x128xf32>
    %min3A_592 = arith.minimumf %min3A_584, %sub3A_590 : vector<2048x128xf32>
    %jit3A_593 = arith.constant 72 : i32
    %broadcast_in_dim3A_594 = vector.broadcast %jit3A_593 : i32 to vector<2048x128xi32>
    %select_n3A_595 = arith.select %lt3A_591, %broadcast_in_dim3A_594, %select_n3A_587 : vector<2048x128xi1>, vector<2048x128xi32>
    %slice3A_596 = vector.extract_strided_slice %add3A_13 {offsets = [0, 9344], sizes = [2048, 128], strides = [1, 1]} : vector<2048x16384xf32> to vector<2048x128xf32>
    %slice3A_597 = vector.extract_strided_slice %dot_general3A_5 {offsets = [0, 9344], sizes = [2048, 128], strides = [1, 1]} : vector<2048x16384xf32> to vector<2048x128xf32>
    %sub3A_598 = arith.subf %slice3A_596, %slice3A_597 : vector<2048x128xf32>
    %lt3A_599 = arith.cmpf olt, %sub3A_598, %min3A_592 : vector<2048x128xf32>
    %min3A_600 = arith.minimumf %min3A_592, %sub3A_598 : vector<2048x128xf32>
    %jit3A_601 = arith.constant 73 : i32
    %broadcast_in_dim3A_602 = vector.broadcast %jit3A_601 : i32 to vector<2048x128xi32>
    %select_n3A_603 = arith.select %lt3A_599, %broadcast_in_dim3A_602, %select_n3A_595 : vector<2048x128xi1>, vector<2048x128xi32>
    %slice3A_604 = vector.extract_strided_slice %add3A_13 {offsets = [0, 9472], sizes = [2048, 128], strides = [1, 1]} : vector<2048x16384xf32> to vector<2048x128xf32>
    %slice3A_605 = vector.extract_strided_slice %dot_general3A_5 {offsets = [0, 9472], sizes = [2048, 128], strides = [1, 1]} : vector<2048x16384xf32> to vector<2048x128xf32>
    %sub3A_606 = arith.subf %slice3A_604, %slice3A_605 : vector<2048x128xf32>
    %lt3A_607 = arith.cmpf olt, %sub3A_606, %min3A_600 : vector<2048x128xf32>
    %min3A_608 = arith.minimumf %min3A_600, %sub3A_606 : vector<2048x128xf32>
    %jit3A_609 = arith.constant 74 : i32
    %broadcast_in_dim3A_610 = vector.broadcast %jit3A_609 : i32 to vector<2048x128xi32>
    %select_n3A_611 = arith.select %lt3A_607, %broadcast_in_dim3A_610, %select_n3A_603 : vector<2048x128xi1>, vector<2048x128xi32>
    %slice3A_612 = vector.extract_strided_slice %add3A_13 {offsets = [0, 9600], sizes = [2048, 128], strides = [1, 1]} : vector<2048x16384xf32> to vector<2048x128xf32>
    %slice3A_613 = vector.extract_strided_slice %dot_general3A_5 {offsets = [0, 9600], sizes = [2048, 128], strides = [1, 1]} : vector<2048x16384xf32> to vector<2048x128xf32>
    %sub3A_614 = arith.subf %slice3A_612, %slice3A_613 : vector<2048x128xf32>
    %lt3A_615 = arith.cmpf olt, %sub3A_614, %min3A_608 : vector<2048x128xf32>
    %min3A_616 = arith.minimumf %min3A_608, %sub3A_614 : vector<2048x128xf32>
    %jit3A_617 = arith.constant 75 : i32
    %broadcast_in_dim3A_618 = vector.broadcast %jit3A_617 : i32 to vector<2048x128xi32>
    %select_n3A_619 = arith.select %lt3A_615, %broadcast_in_dim3A_618, %select_n3A_611 : vector<2048x128xi1>, vector<2048x128xi32>
    %slice3A_620 = vector.extract_strided_slice %add3A_13 {offsets = [0, 9728], sizes = [2048, 128], strides = [1, 1]} : vector<2048x16384xf32> to vector<2048x128xf32>
    %slice3A_621 = vector.extract_strided_slice %dot_general3A_5 {offsets = [0, 9728], sizes = [2048, 128], strides = [1, 1]} : vector<2048x16384xf32> to vector<2048x128xf32>
    %sub3A_622 = arith.subf %slice3A_620, %slice3A_621 : vector<2048x128xf32>
    %lt3A_623 = arith.cmpf olt, %sub3A_622, %min3A_616 : vector<2048x128xf32>
    %min3A_624 = arith.minimumf %min3A_616, %sub3A_622 : vector<2048x128xf32>
    %jit3A_625 = arith.constant 76 : i32
    %broadcast_in_dim3A_626 = vector.broadcast %jit3A_625 : i32 to vector<2048x128xi32>
    %select_n3A_627 = arith.select %lt3A_623, %broadcast_in_dim3A_626, %select_n3A_619 : vector<2048x128xi1>, vector<2048x128xi32>
    %slice3A_628 = vector.extract_strided_slice %add3A_13 {offsets = [0, 9856], sizes = [2048, 128], strides = [1, 1]} : vector<2048x16384xf32> to vector<2048x128xf32>
    %slice3A_629 = vector.extract_strided_slice %dot_general3A_5 {offsets = [0, 9856], sizes = [2048, 128], strides = [1, 1]} : vector<2048x16384xf32> to vector<2048x128xf32>
    %sub3A_630 = arith.subf %slice3A_628, %slice3A_629 : vector<2048x128xf32>
    %lt3A_631 = arith.cmpf olt, %sub3A_630, %min3A_624 : vector<2048x128xf32>
    %min3A_632 = arith.minimumf %min3A_624, %sub3A_630 : vector<2048x128xf32>
    %jit3A_633 = arith.constant 77 : i32
    %broadcast_in_dim3A_634 = vector.broadcast %jit3A_633 : i32 to vector<2048x128xi32>
    %select_n3A_635 = arith.select %lt3A_631, %broadcast_in_dim3A_634, %select_n3A_627 : vector<2048x128xi1>, vector<2048x128xi32>
    %slice3A_636 = vector.extract_strided_slice %add3A_13 {offsets = [0, 9984], sizes = [2048, 128], strides = [1, 1]} : vector<2048x16384xf32> to vector<2048x128xf32>
    %slice3A_637 = vector.extract_strided_slice %dot_general3A_5 {offsets = [0, 9984], sizes = [2048, 128], strides = [1, 1]} : vector<2048x16384xf32> to vector<2048x128xf32>
    %sub3A_638 = arith.subf %slice3A_636, %slice3A_637 : vector<2048x128xf32>
    %lt3A_639 = arith.cmpf olt, %sub3A_638, %min3A_632 : vector<2048x128xf32>
    %min3A_640 = arith.minimumf %min3A_632, %sub3A_638 : vector<2048x128xf32>
    %jit3A_641 = arith.constant 78 : i32
    %broadcast_in_dim3A_642 = vector.broadcast %jit3A_641 : i32 to vector<2048x128xi32>
    %select_n3A_643 = arith.select %lt3A_639, %broadcast_in_dim3A_642, %select_n3A_635 : vector<2048x128xi1>, vector<2048x128xi32>
    %slice3A_644 = vector.extract_strided_slice %add3A_13 {offsets = [0, 10112], sizes = [2048, 128], strides = [1, 1]} : vector<2048x16384xf32> to vector<2048x128xf32>
    %slice3A_645 = vector.extract_strided_slice %dot_general3A_5 {offsets = [0, 10112], sizes = [2048, 128], strides = [1, 1]} : vector<2048x16384xf32> to vector<2048x128xf32>
    %sub3A_646 = arith.subf %slice3A_644, %slice3A_645 : vector<2048x128xf32>
    %lt3A_647 = arith.cmpf olt, %sub3A_646, %min3A_640 : vector<2048x128xf32>
    %min3A_648 = arith.minimumf %min3A_640, %sub3A_646 : vector<2048x128xf32>
    %jit3A_649 = arith.constant 79 : i32
    %broadcast_in_dim3A_650 = vector.broadcast %jit3A_649 : i32 to vector<2048x128xi32>
    %select_n3A_651 = arith.select %lt3A_647, %broadcast_in_dim3A_650, %select_n3A_643 : vector<2048x128xi1>, vector<2048x128xi32>
    %slice3A_652 = vector.extract_strided_slice %add3A_13 {offsets = [0, 10240], sizes = [2048, 128], strides = [1, 1]} : vector<2048x16384xf32> to vector<2048x128xf32>
    %slice3A_653 = vector.extract_strided_slice %dot_general3A_5 {offsets = [0, 10240], sizes = [2048, 128], strides = [1, 1]} : vector<2048x16384xf32> to vector<2048x128xf32>
    %sub3A_654 = arith.subf %slice3A_652, %slice3A_653 : vector<2048x128xf32>
    %lt3A_655 = arith.cmpf olt, %sub3A_654, %min3A_648 : vector<2048x128xf32>
    %min3A_656 = arith.minimumf %min3A_648, %sub3A_654 : vector<2048x128xf32>
    %jit3A_657 = arith.constant 80 : i32
    %broadcast_in_dim3A_658 = vector.broadcast %jit3A_657 : i32 to vector<2048x128xi32>
    %select_n3A_659 = arith.select %lt3A_655, %broadcast_in_dim3A_658, %select_n3A_651 : vector<2048x128xi1>, vector<2048x128xi32>
    %slice3A_660 = vector.extract_strided_slice %add3A_13 {offsets = [0, 10368], sizes = [2048, 128], strides = [1, 1]} : vector<2048x16384xf32> to vector<2048x128xf32>
    %slice3A_661 = vector.extract_strided_slice %dot_general3A_5 {offsets = [0, 10368], sizes = [2048, 128], strides = [1, 1]} : vector<2048x16384xf32> to vector<2048x128xf32>
    %sub3A_662 = arith.subf %slice3A_660, %slice3A_661 : vector<2048x128xf32>
    %lt3A_663 = arith.cmpf olt, %sub3A_662, %min3A_656 : vector<2048x128xf32>
    %min3A_664 = arith.minimumf %min3A_656, %sub3A_662 : vector<2048x128xf32>
    %jit3A_665 = arith.constant 81 : i32
    %broadcast_in_dim3A_666 = vector.broadcast %jit3A_665 : i32 to vector<2048x128xi32>
    %select_n3A_667 = arith.select %lt3A_663, %broadcast_in_dim3A_666, %select_n3A_659 : vector<2048x128xi1>, vector<2048x128xi32>
    %slice3A_668 = vector.extract_strided_slice %add3A_13 {offsets = [0, 10496], sizes = [2048, 128], strides = [1, 1]} : vector<2048x16384xf32> to vector<2048x128xf32>
    %slice3A_669 = vector.extract_strided_slice %dot_general3A_5 {offsets = [0, 10496], sizes = [2048, 128], strides = [1, 1]} : vector<2048x16384xf32> to vector<2048x128xf32>
    %sub3A_670 = arith.subf %slice3A_668, %slice3A_669 : vector<2048x128xf32>
    %lt3A_671 = arith.cmpf olt, %sub3A_670, %min3A_664 : vector<2048x128xf32>
    %min3A_672 = arith.minimumf %min3A_664, %sub3A_670 : vector<2048x128xf32>
    %jit3A_673 = arith.constant 82 : i32
    %broadcast_in_dim3A_674 = vector.broadcast %jit3A_673 : i32 to vector<2048x128xi32>
    %select_n3A_675 = arith.select %lt3A_671, %broadcast_in_dim3A_674, %select_n3A_667 : vector<2048x128xi1>, vector<2048x128xi32>
    %slice3A_676 = vector.extract_strided_slice %add3A_13 {offsets = [0, 10624], sizes = [2048, 128], strides = [1, 1]} : vector<2048x16384xf32> to vector<2048x128xf32>
    %slice3A_677 = vector.extract_strided_slice %dot_general3A_5 {offsets = [0, 10624], sizes = [2048, 128], strides = [1, 1]} : vector<2048x16384xf32> to vector<2048x128xf32>
    %sub3A_678 = arith.subf %slice3A_676, %slice3A_677 : vector<2048x128xf32>
    %lt3A_679 = arith.cmpf olt, %sub3A_678, %min3A_672 : vector<2048x128xf32>
    %min3A_680 = arith.minimumf %min3A_672, %sub3A_678 : vector<2048x128xf32>
    %jit3A_681 = arith.constant 83 : i32
    %broadcast_in_dim3A_682 = vector.broadcast %jit3A_681 : i32 to vector<2048x128xi32>
    %select_n3A_683 = arith.select %lt3A_679, %broadcast_in_dim3A_682, %select_n3A_675 : vector<2048x128xi1>, vector<2048x128xi32>
    %slice3A_684 = vector.extract_strided_slice %add3A_13 {offsets = [0, 10752], sizes = [2048, 128], strides = [1, 1]} : vector<2048x16384xf32> to vector<2048x128xf32>
    %slice3A_685 = vector.extract_strided_slice %dot_general3A_5 {offsets = [0, 10752], sizes = [2048, 128], strides = [1, 1]} : vector<2048x16384xf32> to vector<2048x128xf32>
    %sub3A_686 = arith.subf %slice3A_684, %slice3A_685 : vector<2048x128xf32>
    %lt3A_687 = arith.cmpf olt, %sub3A_686, %min3A_680 : vector<2048x128xf32>
    %min3A_688 = arith.minimumf %min3A_680, %sub3A_686 : vector<2048x128xf32>
    %jit3A_689 = arith.constant 84 : i32
    %broadcast_in_dim3A_690 = vector.broadcast %jit3A_689 : i32 to vector<2048x128xi32>
    %select_n3A_691 = arith.select %lt3A_687, %broadcast_in_dim3A_690, %select_n3A_683 : vector<2048x128xi1>, vector<2048x128xi32>
    %slice3A_692 = vector.extract_strided_slice %add3A_13 {offsets = [0, 10880], sizes = [2048, 128], strides = [1, 1]} : vector<2048x16384xf32> to vector<2048x128xf32>
    %slice3A_693 = vector.extract_strided_slice %dot_general3A_5 {offsets = [0, 10880], sizes = [2048, 128], strides = [1, 1]} : vector<2048x16384xf32> to vector<2048x128xf32>
    %sub3A_694 = arith.subf %slice3A_692, %slice3A_693 : vector<2048x128xf32>
    %lt3A_695 = arith.cmpf olt, %sub3A_694, %min3A_688 : vector<2048x128xf32>
    %min3A_696 = arith.minimumf %min3A_688, %sub3A_694 : vector<2048x128xf32>
    %jit3A_697 = arith.constant 85 : i32
    %broadcast_in_dim3A_698 = vector.broadcast %jit3A_697 : i32 to vector<2048x128xi32>
    %select_n3A_699 = arith.select %lt3A_695, %broadcast_in_dim3A_698, %select_n3A_691 : vector<2048x128xi1>, vector<2048x128xi32>
    %slice3A_700 = vector.extract_strided_slice %add3A_13 {offsets = [0, 11008], sizes = [2048, 128], strides = [1, 1]} : vector<2048x16384xf32> to vector<2048x128xf32>
    %slice3A_701 = vector.extract_strided_slice %dot_general3A_5 {offsets = [0, 11008], sizes = [2048, 128], strides = [1, 1]} : vector<2048x16384xf32> to vector<2048x128xf32>
    %sub3A_702 = arith.subf %slice3A_700, %slice3A_701 : vector<2048x128xf32>
    %lt3A_703 = arith.cmpf olt, %sub3A_702, %min3A_696 : vector<2048x128xf32>
    %min3A_704 = arith.minimumf %min3A_696, %sub3A_702 : vector<2048x128xf32>
    %jit3A_705 = arith.constant 86 : i32
    %broadcast_in_dim3A_706 = vector.broadcast %jit3A_705 : i32 to vector<2048x128xi32>
    %select_n3A_707 = arith.select %lt3A_703, %broadcast_in_dim3A_706, %select_n3A_699 : vector<2048x128xi1>, vector<2048x128xi32>
    %slice3A_708 = vector.extract_strided_slice %add3A_13 {offsets = [0, 11136], sizes = [2048, 128], strides = [1, 1]} : vector<2048x16384xf32> to vector<2048x128xf32>
    %slice3A_709 = vector.extract_strided_slice %dot_general3A_5 {offsets = [0, 11136], sizes = [2048, 128], strides = [1, 1]} : vector<2048x16384xf32> to vector<2048x128xf32>
    %sub3A_710 = arith.subf %slice3A_708, %slice3A_709 : vector<2048x128xf32>
    %lt3A_711 = arith.cmpf olt, %sub3A_710, %min3A_704 : vector<2048x128xf32>
    %min3A_712 = arith.minimumf %min3A_704, %sub3A_710 : vector<2048x128xf32>
    %jit3A_713 = arith.constant 87 : i32
    %broadcast_in_dim3A_714 = vector.broadcast %jit3A_713 : i32 to vector<2048x128xi32>
    %select_n3A_715 = arith.select %lt3A_711, %broadcast_in_dim3A_714, %select_n3A_707 : vector<2048x128xi1>, vector<2048x128xi32>
    %slice3A_716 = vector.extract_strided_slice %add3A_13 {offsets = [0, 11264], sizes = [2048, 128], strides = [1, 1]} : vector<2048x16384xf32> to vector<2048x128xf32>
    %slice3A_717 = vector.extract_strided_slice %dot_general3A_5 {offsets = [0, 11264], sizes = [2048, 128], strides = [1, 1]} : vector<2048x16384xf32> to vector<2048x128xf32>
    %sub3A_718 = arith.subf %slice3A_716, %slice3A_717 : vector<2048x128xf32>
    %lt3A_719 = arith.cmpf olt, %sub3A_718, %min3A_712 : vector<2048x128xf32>
    %min3A_720 = arith.minimumf %min3A_712, %sub3A_718 : vector<2048x128xf32>
    %jit3A_721 = arith.constant 88 : i32
    %broadcast_in_dim3A_722 = vector.broadcast %jit3A_721 : i32 to vector<2048x128xi32>
    %select_n3A_723 = arith.select %lt3A_719, %broadcast_in_dim3A_722, %select_n3A_715 : vector<2048x128xi1>, vector<2048x128xi32>
    %slice3A_724 = vector.extract_strided_slice %add3A_13 {offsets = [0, 11392], sizes = [2048, 128], strides = [1, 1]} : vector<2048x16384xf32> to vector<2048x128xf32>
    %slice3A_725 = vector.extract_strided_slice %dot_general3A_5 {offsets = [0, 11392], sizes = [2048, 128], strides = [1, 1]} : vector<2048x16384xf32> to vector<2048x128xf32>
    %sub3A_726 = arith.subf %slice3A_724, %slice3A_725 : vector<2048x128xf32>
    %lt3A_727 = arith.cmpf olt, %sub3A_726, %min3A_720 : vector<2048x128xf32>
    %min3A_728 = arith.minimumf %min3A_720, %sub3A_726 : vector<2048x128xf32>
    %jit3A_729 = arith.constant 89 : i32
    %broadcast_in_dim3A_730 = vector.broadcast %jit3A_729 : i32 to vector<2048x128xi32>
    %select_n3A_731 = arith.select %lt3A_727, %broadcast_in_dim3A_730, %select_n3A_723 : vector<2048x128xi1>, vector<2048x128xi32>
    %slice3A_732 = vector.extract_strided_slice %add3A_13 {offsets = [0, 11520], sizes = [2048, 128], strides = [1, 1]} : vector<2048x16384xf32> to vector<2048x128xf32>
    %slice3A_733 = vector.extract_strided_slice %dot_general3A_5 {offsets = [0, 11520], sizes = [2048, 128], strides = [1, 1]} : vector<2048x16384xf32> to vector<2048x128xf32>
    %sub3A_734 = arith.subf %slice3A_732, %slice3A_733 : vector<2048x128xf32>
    %lt3A_735 = arith.cmpf olt, %sub3A_734, %min3A_728 : vector<2048x128xf32>
    %min3A_736 = arith.minimumf %min3A_728, %sub3A_734 : vector<2048x128xf32>
    %jit3A_737 = arith.constant 90 : i32
    %broadcast_in_dim3A_738 = vector.broadcast %jit3A_737 : i32 to vector<2048x128xi32>
    %select_n3A_739 = arith.select %lt3A_735, %broadcast_in_dim3A_738, %select_n3A_731 : vector<2048x128xi1>, vector<2048x128xi32>
    %slice3A_740 = vector.extract_strided_slice %add3A_13 {offsets = [0, 11648], sizes = [2048, 128], strides = [1, 1]} : vector<2048x16384xf32> to vector<2048x128xf32>
    %slice3A_741 = vector.extract_strided_slice %dot_general3A_5 {offsets = [0, 11648], sizes = [2048, 128], strides = [1, 1]} : vector<2048x16384xf32> to vector<2048x128xf32>
    %sub3A_742 = arith.subf %slice3A_740, %slice3A_741 : vector<2048x128xf32>
    %lt3A_743 = arith.cmpf olt, %sub3A_742, %min3A_736 : vector<2048x128xf32>
    %min3A_744 = arith.minimumf %min3A_736, %sub3A_742 : vector<2048x128xf32>
    %jit3A_745 = arith.constant 91 : i32
    %broadcast_in_dim3A_746 = vector.broadcast %jit3A_745 : i32 to vector<2048x128xi32>
    %select_n3A_747 = arith.select %lt3A_743, %broadcast_in_dim3A_746, %select_n3A_739 : vector<2048x128xi1>, vector<2048x128xi32>
    %slice3A_748 = vector.extract_strided_slice %add3A_13 {offsets = [0, 11776], sizes = [2048, 128], strides = [1, 1]} : vector<2048x16384xf32> to vector<2048x128xf32>
    %slice3A_749 = vector.extract_strided_slice %dot_general3A_5 {offsets = [0, 11776], sizes = [2048, 128], strides = [1, 1]} : vector<2048x16384xf32> to vector<2048x128xf32>
    %sub3A_750 = arith.subf %slice3A_748, %slice3A_749 : vector<2048x128xf32>
    %lt3A_751 = arith.cmpf olt, %sub3A_750, %min3A_744 : vector<2048x128xf32>
    %min3A_752 = arith.minimumf %min3A_744, %sub3A_750 : vector<2048x128xf32>
    %jit3A_753 = arith.constant 92 : i32
    %broadcast_in_dim3A_754 = vector.broadcast %jit3A_753 : i32 to vector<2048x128xi32>
    %select_n3A_755 = arith.select %lt3A_751, %broadcast_in_dim3A_754, %select_n3A_747 : vector<2048x128xi1>, vector<2048x128xi32>
    %slice3A_756 = vector.extract_strided_slice %add3A_13 {offsets = [0, 11904], sizes = [2048, 128], strides = [1, 1]} : vector<2048x16384xf32> to vector<2048x128xf32>
    %slice3A_757 = vector.extract_strided_slice %dot_general3A_5 {offsets = [0, 11904], sizes = [2048, 128], strides = [1, 1]} : vector<2048x16384xf32> to vector<2048x128xf32>
    %sub3A_758 = arith.subf %slice3A_756, %slice3A_757 : vector<2048x128xf32>
    %lt3A_759 = arith.cmpf olt, %sub3A_758, %min3A_752 : vector<2048x128xf32>
    %min3A_760 = arith.minimumf %min3A_752, %sub3A_758 : vector<2048x128xf32>
    %jit3A_761 = arith.constant 93 : i32
    %broadcast_in_dim3A_762 = vector.broadcast %jit3A_761 : i32 to vector<2048x128xi32>
    %select_n3A_763 = arith.select %lt3A_759, %broadcast_in_dim3A_762, %select_n3A_755 : vector<2048x128xi1>, vector<2048x128xi32>
    %slice3A_764 = vector.extract_strided_slice %add3A_13 {offsets = [0, 12032], sizes = [2048, 128], strides = [1, 1]} : vector<2048x16384xf32> to vector<2048x128xf32>
    %slice3A_765 = vector.extract_strided_slice %dot_general3A_5 {offsets = [0, 12032], sizes = [2048, 128], strides = [1, 1]} : vector<2048x16384xf32> to vector<2048x128xf32>
    %sub3A_766 = arith.subf %slice3A_764, %slice3A_765 : vector<2048x128xf32>
    %lt3A_767 = arith.cmpf olt, %sub3A_766, %min3A_760 : vector<2048x128xf32>
    %min3A_768 = arith.minimumf %min3A_760, %sub3A_766 : vector<2048x128xf32>
    %jit3A_769 = arith.constant 94 : i32
    %broadcast_in_dim3A_770 = vector.broadcast %jit3A_769 : i32 to vector<2048x128xi32>
    %select_n3A_771 = arith.select %lt3A_767, %broadcast_in_dim3A_770, %select_n3A_763 : vector<2048x128xi1>, vector<2048x128xi32>
    %slice3A_772 = vector.extract_strided_slice %add3A_13 {offsets = [0, 12160], sizes = [2048, 128], strides = [1, 1]} : vector<2048x16384xf32> to vector<2048x128xf32>
    %slice3A_773 = vector.extract_strided_slice %dot_general3A_5 {offsets = [0, 12160], sizes = [2048, 128], strides = [1, 1]} : vector<2048x16384xf32> to vector<2048x128xf32>
    %sub3A_774 = arith.subf %slice3A_772, %slice3A_773 : vector<2048x128xf32>
    %lt3A_775 = arith.cmpf olt, %sub3A_774, %min3A_768 : vector<2048x128xf32>
    %min3A_776 = arith.minimumf %min3A_768, %sub3A_774 : vector<2048x128xf32>
    %jit3A_777 = arith.constant 95 : i32
    %broadcast_in_dim3A_778 = vector.broadcast %jit3A_777 : i32 to vector<2048x128xi32>
    %select_n3A_779 = arith.select %lt3A_775, %broadcast_in_dim3A_778, %select_n3A_771 : vector<2048x128xi1>, vector<2048x128xi32>
    %slice3A_780 = vector.extract_strided_slice %add3A_13 {offsets = [0, 12288], sizes = [2048, 128], strides = [1, 1]} : vector<2048x16384xf32> to vector<2048x128xf32>
    %slice3A_781 = vector.extract_strided_slice %dot_general3A_5 {offsets = [0, 12288], sizes = [2048, 128], strides = [1, 1]} : vector<2048x16384xf32> to vector<2048x128xf32>
    %sub3A_782 = arith.subf %slice3A_780, %slice3A_781 : vector<2048x128xf32>
    %lt3A_783 = arith.cmpf olt, %sub3A_782, %min3A_776 : vector<2048x128xf32>
    %min3A_784 = arith.minimumf %min3A_776, %sub3A_782 : vector<2048x128xf32>
    %jit3A_785 = arith.constant 96 : i32
    %broadcast_in_dim3A_786 = vector.broadcast %jit3A_785 : i32 to vector<2048x128xi32>
    %select_n3A_787 = arith.select %lt3A_783, %broadcast_in_dim3A_786, %select_n3A_779 : vector<2048x128xi1>, vector<2048x128xi32>
    %slice3A_788 = vector.extract_strided_slice %add3A_13 {offsets = [0, 12416], sizes = [2048, 128], strides = [1, 1]} : vector<2048x16384xf32> to vector<2048x128xf32>
    %slice3A_789 = vector.extract_strided_slice %dot_general3A_5 {offsets = [0, 12416], sizes = [2048, 128], strides = [1, 1]} : vector<2048x16384xf32> to vector<2048x128xf32>
    %sub3A_790 = arith.subf %slice3A_788, %slice3A_789 : vector<2048x128xf32>
    %lt3A_791 = arith.cmpf olt, %sub3A_790, %min3A_784 : vector<2048x128xf32>
    %min3A_792 = arith.minimumf %min3A_784, %sub3A_790 : vector<2048x128xf32>
    %jit3A_793 = arith.constant 97 : i32
    %broadcast_in_dim3A_794 = vector.broadcast %jit3A_793 : i32 to vector<2048x128xi32>
    %select_n3A_795 = arith.select %lt3A_791, %broadcast_in_dim3A_794, %select_n3A_787 : vector<2048x128xi1>, vector<2048x128xi32>
    %slice3A_796 = vector.extract_strided_slice %add3A_13 {offsets = [0, 12544], sizes = [2048, 128], strides = [1, 1]} : vector<2048x16384xf32> to vector<2048x128xf32>
    %slice3A_797 = vector.extract_strided_slice %dot_general3A_5 {offsets = [0, 12544], sizes = [2048, 128], strides = [1, 1]} : vector<2048x16384xf32> to vector<2048x128xf32>
    %sub3A_798 = arith.subf %slice3A_796, %slice3A_797 : vector<2048x128xf32>
    %lt3A_799 = arith.cmpf olt, %sub3A_798, %min3A_792 : vector<2048x128xf32>
    %min3A_800 = arith.minimumf %min3A_792, %sub3A_798 : vector<2048x128xf32>
    %jit3A_801 = arith.constant 98 : i32
    %broadcast_in_dim3A_802 = vector.broadcast %jit3A_801 : i32 to vector<2048x128xi32>
    %select_n3A_803 = arith.select %lt3A_799, %broadcast_in_dim3A_802, %select_n3A_795 : vector<2048x128xi1>, vector<2048x128xi32>
    %slice3A_804 = vector.extract_strided_slice %add3A_13 {offsets = [0, 12672], sizes = [2048, 128], strides = [1, 1]} : vector<2048x16384xf32> to vector<2048x128xf32>
    %slice3A_805 = vector.extract_strided_slice %dot_general3A_5 {offsets = [0, 12672], sizes = [2048, 128], strides = [1, 1]} : vector<2048x16384xf32> to vector<2048x128xf32>
    %sub3A_806 = arith.subf %slice3A_804, %slice3A_805 : vector<2048x128xf32>
    %lt3A_807 = arith.cmpf olt, %sub3A_806, %min3A_800 : vector<2048x128xf32>
    %min3A_808 = arith.minimumf %min3A_800, %sub3A_806 : vector<2048x128xf32>
    %jit3A_809 = arith.constant 99 : i32
    %broadcast_in_dim3A_810 = vector.broadcast %jit3A_809 : i32 to vector<2048x128xi32>
    %select_n3A_811 = arith.select %lt3A_807, %broadcast_in_dim3A_810, %select_n3A_803 : vector<2048x128xi1>, vector<2048x128xi32>
    %slice3A_812 = vector.extract_strided_slice %add3A_13 {offsets = [0, 12800], sizes = [2048, 128], strides = [1, 1]} : vector<2048x16384xf32> to vector<2048x128xf32>
    %slice3A_813 = vector.extract_strided_slice %dot_general3A_5 {offsets = [0, 12800], sizes = [2048, 128], strides = [1, 1]} : vector<2048x16384xf32> to vector<2048x128xf32>
    %sub3A_814 = arith.subf %slice3A_812, %slice3A_813 : vector<2048x128xf32>
    %lt3A_815 = arith.cmpf olt, %sub3A_814, %min3A_808 : vector<2048x128xf32>
    %min3A_816 = arith.minimumf %min3A_808, %sub3A_814 : vector<2048x128xf32>
    %jit3A_817 = arith.constant 100 : i32
    %broadcast_in_dim3A_818 = vector.broadcast %jit3A_817 : i32 to vector<2048x128xi32>
    %select_n3A_819 = arith.select %lt3A_815, %broadcast_in_dim3A_818, %select_n3A_811 : vector<2048x128xi1>, vector<2048x128xi32>
    %slice3A_820 = vector.extract_strided_slice %add3A_13 {offsets = [0, 12928], sizes = [2048, 128], strides = [1, 1]} : vector<2048x16384xf32> to vector<2048x128xf32>
    %slice3A_821 = vector.extract_strided_slice %dot_general3A_5 {offsets = [0, 12928], sizes = [2048, 128], strides = [1, 1]} : vector<2048x16384xf32> to vector<2048x128xf32>
    %sub3A_822 = arith.subf %slice3A_820, %slice3A_821 : vector<2048x128xf32>
    %lt3A_823 = arith.cmpf olt, %sub3A_822, %min3A_816 : vector<2048x128xf32>
    %min3A_824 = arith.minimumf %min3A_816, %sub3A_822 : vector<2048x128xf32>
    %jit3A_825 = arith.constant 101 : i32
    %broadcast_in_dim3A_826 = vector.broadcast %jit3A_825 : i32 to vector<2048x128xi32>
    %select_n3A_827 = arith.select %lt3A_823, %broadcast_in_dim3A_826, %select_n3A_819 : vector<2048x128xi1>, vector<2048x128xi32>
    %slice3A_828 = vector.extract_strided_slice %add3A_13 {offsets = [0, 13056], sizes = [2048, 128], strides = [1, 1]} : vector<2048x16384xf32> to vector<2048x128xf32>
    %slice3A_829 = vector.extract_strided_slice %dot_general3A_5 {offsets = [0, 13056], sizes = [2048, 128], strides = [1, 1]} : vector<2048x16384xf32> to vector<2048x128xf32>
    %sub3A_830 = arith.subf %slice3A_828, %slice3A_829 : vector<2048x128xf32>
    %lt3A_831 = arith.cmpf olt, %sub3A_830, %min3A_824 : vector<2048x128xf32>
    %min3A_832 = arith.minimumf %min3A_824, %sub3A_830 : vector<2048x128xf32>
    %jit3A_833 = arith.constant 102 : i32
    %broadcast_in_dim3A_834 = vector.broadcast %jit3A_833 : i32 to vector<2048x128xi32>
    %select_n3A_835 = arith.select %lt3A_831, %broadcast_in_dim3A_834, %select_n3A_827 : vector<2048x128xi1>, vector<2048x128xi32>
    %slice3A_836 = vector.extract_strided_slice %add3A_13 {offsets = [0, 13184], sizes = [2048, 128], strides = [1, 1]} : vector<2048x16384xf32> to vector<2048x128xf32>
    %slice3A_837 = vector.extract_strided_slice %dot_general3A_5 {offsets = [0, 13184], sizes = [2048, 128], strides = [1, 1]} : vector<2048x16384xf32> to vector<2048x128xf32>
    %sub3A_838 = arith.subf %slice3A_836, %slice3A_837 : vector<2048x128xf32>
    %lt3A_839 = arith.cmpf olt, %sub3A_838, %min3A_832 : vector<2048x128xf32>
    %min3A_840 = arith.minimumf %min3A_832, %sub3A_838 : vector<2048x128xf32>
    %jit3A_841 = arith.constant 103 : i32
    %broadcast_in_dim3A_842 = vector.broadcast %jit3A_841 : i32 to vector<2048x128xi32>
    %select_n3A_843 = arith.select %lt3A_839, %broadcast_in_dim3A_842, %select_n3A_835 : vector<2048x128xi1>, vector<2048x128xi32>
    %slice3A_844 = vector.extract_strided_slice %add3A_13 {offsets = [0, 13312], sizes = [2048, 128], strides = [1, 1]} : vector<2048x16384xf32> to vector<2048x128xf32>
    %slice3A_845 = vector.extract_strided_slice %dot_general3A_5 {offsets = [0, 13312], sizes = [2048, 128], strides = [1, 1]} : vector<2048x16384xf32> to vector<2048x128xf32>
    %sub3A_846 = arith.subf %slice3A_844, %slice3A_845 : vector<2048x128xf32>
    %lt3A_847 = arith.cmpf olt, %sub3A_846, %min3A_840 : vector<2048x128xf32>
    %min3A_848 = arith.minimumf %min3A_840, %sub3A_846 : vector<2048x128xf32>
    %jit3A_849 = arith.constant 104 : i32
    %broadcast_in_dim3A_850 = vector.broadcast %jit3A_849 : i32 to vector<2048x128xi32>
    %select_n3A_851 = arith.select %lt3A_847, %broadcast_in_dim3A_850, %select_n3A_843 : vector<2048x128xi1>, vector<2048x128xi32>
    %slice3A_852 = vector.extract_strided_slice %add3A_13 {offsets = [0, 13440], sizes = [2048, 128], strides = [1, 1]} : vector<2048x16384xf32> to vector<2048x128xf32>
    %slice3A_853 = vector.extract_strided_slice %dot_general3A_5 {offsets = [0, 13440], sizes = [2048, 128], strides = [1, 1]} : vector<2048x16384xf32> to vector<2048x128xf32>
    %sub3A_854 = arith.subf %slice3A_852, %slice3A_853 : vector<2048x128xf32>
    %lt3A_855 = arith.cmpf olt, %sub3A_854, %min3A_848 : vector<2048x128xf32>
    %min3A_856 = arith.minimumf %min3A_848, %sub3A_854 : vector<2048x128xf32>
    %jit3A_857 = arith.constant 105 : i32
    %broadcast_in_dim3A_858 = vector.broadcast %jit3A_857 : i32 to vector<2048x128xi32>
    %select_n3A_859 = arith.select %lt3A_855, %broadcast_in_dim3A_858, %select_n3A_851 : vector<2048x128xi1>, vector<2048x128xi32>
    %slice3A_860 = vector.extract_strided_slice %add3A_13 {offsets = [0, 13568], sizes = [2048, 128], strides = [1, 1]} : vector<2048x16384xf32> to vector<2048x128xf32>
    %slice3A_861 = vector.extract_strided_slice %dot_general3A_5 {offsets = [0, 13568], sizes = [2048, 128], strides = [1, 1]} : vector<2048x16384xf32> to vector<2048x128xf32>
    %sub3A_862 = arith.subf %slice3A_860, %slice3A_861 : vector<2048x128xf32>
    %lt3A_863 = arith.cmpf olt, %sub3A_862, %min3A_856 : vector<2048x128xf32>
    %min3A_864 = arith.minimumf %min3A_856, %sub3A_862 : vector<2048x128xf32>
    %jit3A_865 = arith.constant 106 : i32
    %broadcast_in_dim3A_866 = vector.broadcast %jit3A_865 : i32 to vector<2048x128xi32>
    %select_n3A_867 = arith.select %lt3A_863, %broadcast_in_dim3A_866, %select_n3A_859 : vector<2048x128xi1>, vector<2048x128xi32>
    %slice3A_868 = vector.extract_strided_slice %add3A_13 {offsets = [0, 13696], sizes = [2048, 128], strides = [1, 1]} : vector<2048x16384xf32> to vector<2048x128xf32>
    %slice3A_869 = vector.extract_strided_slice %dot_general3A_5 {offsets = [0, 13696], sizes = [2048, 128], strides = [1, 1]} : vector<2048x16384xf32> to vector<2048x128xf32>
    %sub3A_870 = arith.subf %slice3A_868, %slice3A_869 : vector<2048x128xf32>
    %lt3A_871 = arith.cmpf olt, %sub3A_870, %min3A_864 : vector<2048x128xf32>
    %min3A_872 = arith.minimumf %min3A_864, %sub3A_870 : vector<2048x128xf32>
    %jit3A_873 = arith.constant 107 : i32
    %broadcast_in_dim3A_874 = vector.broadcast %jit3A_873 : i32 to vector<2048x128xi32>
    %select_n3A_875 = arith.select %lt3A_871, %broadcast_in_dim3A_874, %select_n3A_867 : vector<2048x128xi1>, vector<2048x128xi32>
    %slice3A_876 = vector.extract_strided_slice %add3A_13 {offsets = [0, 13824], sizes = [2048, 128], strides = [1, 1]} : vector<2048x16384xf32> to vector<2048x128xf32>
    %slice3A_877 = vector.extract_strided_slice %dot_general3A_5 {offsets = [0, 13824], sizes = [2048, 128], strides = [1, 1]} : vector<2048x16384xf32> to vector<2048x128xf32>
    %sub3A_878 = arith.subf %slice3A_876, %slice3A_877 : vector<2048x128xf32>
    %lt3A_879 = arith.cmpf olt, %sub3A_878, %min3A_872 : vector<2048x128xf32>
    %min3A_880 = arith.minimumf %min3A_872, %sub3A_878 : vector<2048x128xf32>
    %jit3A_881 = arith.constant 108 : i32
    %broadcast_in_dim3A_882 = vector.broadcast %jit3A_881 : i32 to vector<2048x128xi32>
    %select_n3A_883 = arith.select %lt3A_879, %broadcast_in_dim3A_882, %select_n3A_875 : vector<2048x128xi1>, vector<2048x128xi32>
    %slice3A_884 = vector.extract_strided_slice %add3A_13 {offsets = [0, 13952], sizes = [2048, 128], strides = [1, 1]} : vector<2048x16384xf32> to vector<2048x128xf32>
    %slice3A_885 = vector.extract_strided_slice %dot_general3A_5 {offsets = [0, 13952], sizes = [2048, 128], strides = [1, 1]} : vector<2048x16384xf32> to vector<2048x128xf32>
    %sub3A_886 = arith.subf %slice3A_884, %slice3A_885 : vector<2048x128xf32>
    %lt3A_887 = arith.cmpf olt, %sub3A_886, %min3A_880 : vector<2048x128xf32>
    %min3A_888 = arith.minimumf %min3A_880, %sub3A_886 : vector<2048x128xf32>
    %jit3A_889 = arith.constant 109 : i32
    %broadcast_in_dim3A_890 = vector.broadcast %jit3A_889 : i32 to vector<2048x128xi32>
    %select_n3A_891 = arith.select %lt3A_887, %broadcast_in_dim3A_890, %select_n3A_883 : vector<2048x128xi1>, vector<2048x128xi32>
    %slice3A_892 = vector.extract_strided_slice %add3A_13 {offsets = [0, 14080], sizes = [2048, 128], strides = [1, 1]} : vector<2048x16384xf32> to vector<2048x128xf32>
    %slice3A_893 = vector.extract_strided_slice %dot_general3A_5 {offsets = [0, 14080], sizes = [2048, 128], strides = [1, 1]} : vector<2048x16384xf32> to vector<2048x128xf32>
    %sub3A_894 = arith.subf %slice3A_892, %slice3A_893 : vector<2048x128xf32>
    %lt3A_895 = arith.cmpf olt, %sub3A_894, %min3A_888 : vector<2048x128xf32>
    %min3A_896 = arith.minimumf %min3A_888, %sub3A_894 : vector<2048x128xf32>
    %jit3A_897 = arith.constant 110 : i32
    %broadcast_in_dim3A_898 = vector.broadcast %jit3A_897 : i32 to vector<2048x128xi32>
    %select_n3A_899 = arith.select %lt3A_895, %broadcast_in_dim3A_898, %select_n3A_891 : vector<2048x128xi1>, vector<2048x128xi32>
    %slice3A_900 = vector.extract_strided_slice %add3A_13 {offsets = [0, 14208], sizes = [2048, 128], strides = [1, 1]} : vector<2048x16384xf32> to vector<2048x128xf32>
    %slice3A_901 = vector.extract_strided_slice %dot_general3A_5 {offsets = [0, 14208], sizes = [2048, 128], strides = [1, 1]} : vector<2048x16384xf32> to vector<2048x128xf32>
    %sub3A_902 = arith.subf %slice3A_900, %slice3A_901 : vector<2048x128xf32>
    %lt3A_903 = arith.cmpf olt, %sub3A_902, %min3A_896 : vector<2048x128xf32>
    %min3A_904 = arith.minimumf %min3A_896, %sub3A_902 : vector<2048x128xf32>
    %jit3A_905 = arith.constant 111 : i32
    %broadcast_in_dim3A_906 = vector.broadcast %jit3A_905 : i32 to vector<2048x128xi32>
    %select_n3A_907 = arith.select %lt3A_903, %broadcast_in_dim3A_906, %select_n3A_899 : vector<2048x128xi1>, vector<2048x128xi32>
    %slice3A_908 = vector.extract_strided_slice %add3A_13 {offsets = [0, 14336], sizes = [2048, 128], strides = [1, 1]} : vector<2048x16384xf32> to vector<2048x128xf32>
    %slice3A_909 = vector.extract_strided_slice %dot_general3A_5 {offsets = [0, 14336], sizes = [2048, 128], strides = [1, 1]} : vector<2048x16384xf32> to vector<2048x128xf32>
    %sub3A_910 = arith.subf %slice3A_908, %slice3A_909 : vector<2048x128xf32>
    %lt3A_911 = arith.cmpf olt, %sub3A_910, %min3A_904 : vector<2048x128xf32>
    %min3A_912 = arith.minimumf %min3A_904, %sub3A_910 : vector<2048x128xf32>
    %jit3A_913 = arith.constant 112 : i32
    %broadcast_in_dim3A_914 = vector.broadcast %jit3A_913 : i32 to vector<2048x128xi32>
    %select_n3A_915 = arith.select %lt3A_911, %broadcast_in_dim3A_914, %select_n3A_907 : vector<2048x128xi1>, vector<2048x128xi32>
    %slice3A_916 = vector.extract_strided_slice %add3A_13 {offsets = [0, 14464], sizes = [2048, 128], strides = [1, 1]} : vector<2048x16384xf32> to vector<2048x128xf32>
    %slice3A_917 = vector.extract_strided_slice %dot_general3A_5 {offsets = [0, 14464], sizes = [2048, 128], strides = [1, 1]} : vector<2048x16384xf32> to vector<2048x128xf32>
    %sub3A_918 = arith.subf %slice3A_916, %slice3A_917 : vector<2048x128xf32>
    %lt3A_919 = arith.cmpf olt, %sub3A_918, %min3A_912 : vector<2048x128xf32>
    %min3A_920 = arith.minimumf %min3A_912, %sub3A_918 : vector<2048x128xf32>
    %jit3A_921 = arith.constant 113 : i32
    %broadcast_in_dim3A_922 = vector.broadcast %jit3A_921 : i32 to vector<2048x128xi32>
    %select_n3A_923 = arith.select %lt3A_919, %broadcast_in_dim3A_922, %select_n3A_915 : vector<2048x128xi1>, vector<2048x128xi32>
    %slice3A_924 = vector.extract_strided_slice %add3A_13 {offsets = [0, 14592], sizes = [2048, 128], strides = [1, 1]} : vector<2048x16384xf32> to vector<2048x128xf32>
    %slice3A_925 = vector.extract_strided_slice %dot_general3A_5 {offsets = [0, 14592], sizes = [2048, 128], strides = [1, 1]} : vector<2048x16384xf32> to vector<2048x128xf32>
    %sub3A_926 = arith.subf %slice3A_924, %slice3A_925 : vector<2048x128xf32>
    %lt3A_927 = arith.cmpf olt, %sub3A_926, %min3A_920 : vector<2048x128xf32>
    %min3A_928 = arith.minimumf %min3A_920, %sub3A_926 : vector<2048x128xf32>
    %jit3A_929 = arith.constant 114 : i32
    %broadcast_in_dim3A_930 = vector.broadcast %jit3A_929 : i32 to vector<2048x128xi32>
    %select_n3A_931 = arith.select %lt3A_927, %broadcast_in_dim3A_930, %select_n3A_923 : vector<2048x128xi1>, vector<2048x128xi32>
    %slice3A_932 = vector.extract_strided_slice %add3A_13 {offsets = [0, 14720], sizes = [2048, 128], strides = [1, 1]} : vector<2048x16384xf32> to vector<2048x128xf32>
    %slice3A_933 = vector.extract_strided_slice %dot_general3A_5 {offsets = [0, 14720], sizes = [2048, 128], strides = [1, 1]} : vector<2048x16384xf32> to vector<2048x128xf32>
    %sub3A_934 = arith.subf %slice3A_932, %slice3A_933 : vector<2048x128xf32>
    %lt3A_935 = arith.cmpf olt, %sub3A_934, %min3A_928 : vector<2048x128xf32>
    %min3A_936 = arith.minimumf %min3A_928, %sub3A_934 : vector<2048x128xf32>
    %jit3A_937 = arith.constant 115 : i32
    %broadcast_in_dim3A_938 = vector.broadcast %jit3A_937 : i32 to vector<2048x128xi32>
    %select_n3A_939 = arith.select %lt3A_935, %broadcast_in_dim3A_938, %select_n3A_931 : vector<2048x128xi1>, vector<2048x128xi32>
    %slice3A_940 = vector.extract_strided_slice %add3A_13 {offsets = [0, 14848], sizes = [2048, 128], strides = [1, 1]} : vector<2048x16384xf32> to vector<2048x128xf32>
    %slice3A_941 = vector.extract_strided_slice %dot_general3A_5 {offsets = [0, 14848], sizes = [2048, 128], strides = [1, 1]} : vector<2048x16384xf32> to vector<2048x128xf32>
    %sub3A_942 = arith.subf %slice3A_940, %slice3A_941 : vector<2048x128xf32>
    %lt3A_943 = arith.cmpf olt, %sub3A_942, %min3A_936 : vector<2048x128xf32>
    %min3A_944 = arith.minimumf %min3A_936, %sub3A_942 : vector<2048x128xf32>
    %jit3A_945 = arith.constant 116 : i32
    %broadcast_in_dim3A_946 = vector.broadcast %jit3A_945 : i32 to vector<2048x128xi32>
    %select_n3A_947 = arith.select %lt3A_943, %broadcast_in_dim3A_946, %select_n3A_939 : vector<2048x128xi1>, vector<2048x128xi32>
    %slice3A_948 = vector.extract_strided_slice %add3A_13 {offsets = [0, 14976], sizes = [2048, 128], strides = [1, 1]} : vector<2048x16384xf32> to vector<2048x128xf32>
    %slice3A_949 = vector.extract_strided_slice %dot_general3A_5 {offsets = [0, 14976], sizes = [2048, 128], strides = [1, 1]} : vector<2048x16384xf32> to vector<2048x128xf32>
    %sub3A_950 = arith.subf %slice3A_948, %slice3A_949 : vector<2048x128xf32>
    %lt3A_951 = arith.cmpf olt, %sub3A_950, %min3A_944 : vector<2048x128xf32>
    %min3A_952 = arith.minimumf %min3A_944, %sub3A_950 : vector<2048x128xf32>
    %jit3A_953 = arith.constant 117 : i32
    %broadcast_in_dim3A_954 = vector.broadcast %jit3A_953 : i32 to vector<2048x128xi32>
    %select_n3A_955 = arith.select %lt3A_951, %broadcast_in_dim3A_954, %select_n3A_947 : vector<2048x128xi1>, vector<2048x128xi32>
    %slice3A_956 = vector.extract_strided_slice %add3A_13 {offsets = [0, 15104], sizes = [2048, 128], strides = [1, 1]} : vector<2048x16384xf32> to vector<2048x128xf32>
    %slice3A_957 = vector.extract_strided_slice %dot_general3A_5 {offsets = [0, 15104], sizes = [2048, 128], strides = [1, 1]} : vector<2048x16384xf32> to vector<2048x128xf32>
    %sub3A_958 = arith.subf %slice3A_956, %slice3A_957 : vector<2048x128xf32>
    %lt3A_959 = arith.cmpf olt, %sub3A_958, %min3A_952 : vector<2048x128xf32>
    %min3A_960 = arith.minimumf %min3A_952, %sub3A_958 : vector<2048x128xf32>
    %jit3A_961 = arith.constant 118 : i32
    %broadcast_in_dim3A_962 = vector.broadcast %jit3A_961 : i32 to vector<2048x128xi32>
    %select_n3A_963 = arith.select %lt3A_959, %broadcast_in_dim3A_962, %select_n3A_955 : vector<2048x128xi1>, vector<2048x128xi32>
    %slice3A_964 = vector.extract_strided_slice %add3A_13 {offsets = [0, 15232], sizes = [2048, 128], strides = [1, 1]} : vector<2048x16384xf32> to vector<2048x128xf32>
    %slice3A_965 = vector.extract_strided_slice %dot_general3A_5 {offsets = [0, 15232], sizes = [2048, 128], strides = [1, 1]} : vector<2048x16384xf32> to vector<2048x128xf32>
    %sub3A_966 = arith.subf %slice3A_964, %slice3A_965 : vector<2048x128xf32>
    %lt3A_967 = arith.cmpf olt, %sub3A_966, %min3A_960 : vector<2048x128xf32>
    %min3A_968 = arith.minimumf %min3A_960, %sub3A_966 : vector<2048x128xf32>
    %jit3A_969 = arith.constant 119 : i32
    %broadcast_in_dim3A_970 = vector.broadcast %jit3A_969 : i32 to vector<2048x128xi32>
    %select_n3A_971 = arith.select %lt3A_967, %broadcast_in_dim3A_970, %select_n3A_963 : vector<2048x128xi1>, vector<2048x128xi32>
    %slice3A_972 = vector.extract_strided_slice %add3A_13 {offsets = [0, 15360], sizes = [2048, 128], strides = [1, 1]} : vector<2048x16384xf32> to vector<2048x128xf32>
    %slice3A_973 = vector.extract_strided_slice %dot_general3A_5 {offsets = [0, 15360], sizes = [2048, 128], strides = [1, 1]} : vector<2048x16384xf32> to vector<2048x128xf32>
    %sub3A_974 = arith.subf %slice3A_972, %slice3A_973 : vector<2048x128xf32>
    %lt3A_975 = arith.cmpf olt, %sub3A_974, %min3A_968 : vector<2048x128xf32>
    %min3A_976 = arith.minimumf %min3A_968, %sub3A_974 : vector<2048x128xf32>
    %jit3A_977 = arith.constant 120 : i32
    %broadcast_in_dim3A_978 = vector.broadcast %jit3A_977 : i32 to vector<2048x128xi32>
    %select_n3A_979 = arith.select %lt3A_975, %broadcast_in_dim3A_978, %select_n3A_971 : vector<2048x128xi1>, vector<2048x128xi32>
    %slice3A_980 = vector.extract_strided_slice %add3A_13 {offsets = [0, 15488], sizes = [2048, 128], strides = [1, 1]} : vector<2048x16384xf32> to vector<2048x128xf32>
    %slice3A_981 = vector.extract_strided_slice %dot_general3A_5 {offsets = [0, 15488], sizes = [2048, 128], strides = [1, 1]} : vector<2048x16384xf32> to vector<2048x128xf32>
    %sub3A_982 = arith.subf %slice3A_980, %slice3A_981 : vector<2048x128xf32>
    %lt3A_983 = arith.cmpf olt, %sub3A_982, %min3A_976 : vector<2048x128xf32>
    %min3A_984 = arith.minimumf %min3A_976, %sub3A_982 : vector<2048x128xf32>
    %jit3A_985 = arith.constant 121 : i32
    %broadcast_in_dim3A_986 = vector.broadcast %jit3A_985 : i32 to vector<2048x128xi32>
    %select_n3A_987 = arith.select %lt3A_983, %broadcast_in_dim3A_986, %select_n3A_979 : vector<2048x128xi1>, vector<2048x128xi32>
    %slice3A_988 = vector.extract_strided_slice %add3A_13 {offsets = [0, 15616], sizes = [2048, 128], strides = [1, 1]} : vector<2048x16384xf32> to vector<2048x128xf32>
    %slice3A_989 = vector.extract_strided_slice %dot_general3A_5 {offsets = [0, 15616], sizes = [2048, 128], strides = [1, 1]} : vector<2048x16384xf32> to vector<2048x128xf32>
    %sub3A_990 = arith.subf %slice3A_988, %slice3A_989 : vector<2048x128xf32>
    %lt3A_991 = arith.cmpf olt, %sub3A_990, %min3A_984 : vector<2048x128xf32>
    %min3A_992 = arith.minimumf %min3A_984, %sub3A_990 : vector<2048x128xf32>
    %jit3A_993 = arith.constant 122 : i32
    %broadcast_in_dim3A_994 = vector.broadcast %jit3A_993 : i32 to vector<2048x128xi32>
    %select_n3A_995 = arith.select %lt3A_991, %broadcast_in_dim3A_994, %select_n3A_987 : vector<2048x128xi1>, vector<2048x128xi32>
    %slice3A_996 = vector.extract_strided_slice %add3A_13 {offsets = [0, 15744], sizes = [2048, 128], strides = [1, 1]} : vector<2048x16384xf32> to vector<2048x128xf32>
    %slice3A_997 = vector.extract_strided_slice %dot_general3A_5 {offsets = [0, 15744], sizes = [2048, 128], strides = [1, 1]} : vector<2048x16384xf32> to vector<2048x128xf32>
    %sub3A_998 = arith.subf %slice3A_996, %slice3A_997 : vector<2048x128xf32>
    %lt3A_999 = arith.cmpf olt, %sub3A_998, %min3A_992 : vector<2048x128xf32>
    %min3A_1000 = arith.minimumf %min3A_992, %sub3A_998 : vector<2048x128xf32>
    %jit3A_1001 = arith.constant 123 : i32
    %broadcast_in_dim3A_1002 = vector.broadcast %jit3A_1001 : i32 to vector<2048x128xi32>
    %select_n3A_1003 = arith.select %lt3A_999, %broadcast_in_dim3A_1002, %select_n3A_995 : vector<2048x128xi1>, vector<2048x128xi32>
    %slice3A_1004 = vector.extract_strided_slice %add3A_13 {offsets = [0, 15872], sizes = [2048, 128], strides = [1, 1]} : vector<2048x16384xf32> to vector<2048x128xf32>
    %slice3A_1005 = vector.extract_strided_slice %dot_general3A_5 {offsets = [0, 15872], sizes = [2048, 128], strides = [1, 1]} : vector<2048x16384xf32> to vector<2048x128xf32>
    %sub3A_1006 = arith.subf %slice3A_1004, %slice3A_1005 : vector<2048x128xf32>
    %lt3A_1007 = arith.cmpf olt, %sub3A_1006, %min3A_1000 : vector<2048x128xf32>
    %min3A_1008 = arith.minimumf %min3A_1000, %sub3A_1006 : vector<2048x128xf32>
    %jit3A_1009 = arith.constant 124 : i32
    %broadcast_in_dim3A_1010 = vector.broadcast %jit3A_1009 : i32 to vector<2048x128xi32>
    %select_n3A_1011 = arith.select %lt3A_1007, %broadcast_in_dim3A_1010, %select_n3A_1003 : vector<2048x128xi1>, vector<2048x128xi32>
    %slice3A_1012 = vector.extract_strided_slice %add3A_13 {offsets = [0, 16000], sizes = [2048, 128], strides = [1, 1]} : vector<2048x16384xf32> to vector<2048x128xf32>
    %slice3A_1013 = vector.extract_strided_slice %dot_general3A_5 {offsets = [0, 16000], sizes = [2048, 128], strides = [1, 1]} : vector<2048x16384xf32> to vector<2048x128xf32>
    %sub3A_1014 = arith.subf %slice3A_1012, %slice3A_1013 : vector<2048x128xf32>
    %lt3A_1015 = arith.cmpf olt, %sub3A_1014, %min3A_1008 : vector<2048x128xf32>
    %min3A_1016 = arith.minimumf %min3A_1008, %sub3A_1014 : vector<2048x128xf32>
    %jit3A_1017 = arith.constant 125 : i32
    %broadcast_in_dim3A_1018 = vector.broadcast %jit3A_1017 : i32 to vector<2048x128xi32>
    %select_n3A_1019 = arith.select %lt3A_1015, %broadcast_in_dim3A_1018, %select_n3A_1011 : vector<2048x128xi1>, vector<2048x128xi32>
    %slice3A_1020 = vector.extract_strided_slice %add3A_13 {offsets = [0, 16128], sizes = [2048, 128], strides = [1, 1]} : vector<2048x16384xf32> to vector<2048x128xf32>
    %slice3A_1021 = vector.extract_strided_slice %dot_general3A_5 {offsets = [0, 16128], sizes = [2048, 128], strides = [1, 1]} : vector<2048x16384xf32> to vector<2048x128xf32>
    %sub3A_1022 = arith.subf %slice3A_1020, %slice3A_1021 : vector<2048x128xf32>
    %lt3A_1023 = arith.cmpf olt, %sub3A_1022, %min3A_1016 : vector<2048x128xf32>
    %min3A_1024 = arith.minimumf %min3A_1016, %sub3A_1022 : vector<2048x128xf32>
    %jit3A_1025 = arith.constant 126 : i32
    %broadcast_in_dim3A_1026 = vector.broadcast %jit3A_1025 : i32 to vector<2048x128xi32>
    %select_n3A_1027 = arith.select %lt3A_1023, %broadcast_in_dim3A_1026, %select_n3A_1019 : vector<2048x128xi1>, vector<2048x128xi32>
    %slice3A_1028 = vector.extract_strided_slice %add3A_13 {offsets = [0, 16256], sizes = [2048, 128], strides = [1, 1]} : vector<2048x16384xf32> to vector<2048x128xf32>
    %slice3A_1029 = vector.extract_strided_slice %dot_general3A_5 {offsets = [0, 16256], sizes = [2048, 128], strides = [1, 1]} : vector<2048x16384xf32> to vector<2048x128xf32>
    %sub3A_1030 = arith.subf %slice3A_1028, %slice3A_1029 : vector<2048x128xf32>
    %lt3A_1031 = arith.cmpf olt, %sub3A_1030, %min3A_1024 : vector<2048x128xf32>
    %min3A_1032 = arith.minimumf %min3A_1024, %sub3A_1030 : vector<2048x128xf32>
    %jit3A_1033 = arith.constant 127 : i32
    %broadcast_in_dim3A_1034 = vector.broadcast %jit3A_1033 : i32 to vector<2048x128xi32>
    %select_n3A_1035 = arith.select %lt3A_1031, %broadcast_in_dim3A_1034, %select_n3A_1027 : vector<2048x128xi1>, vector<2048x128xi32>
    %reduce_min3A = arith.constant dense<0x7F800000> : vector<2048xf32>
    %reduce_min3A_1036 = vector.multi_reduction <minimumf>, %min3A_1032, %reduce_min3A [1] : vector<2048x128xf32> to vector<2048xf32>
    %broadcast_in_dim3A_1037 = vector.shape_cast %reduce_min3A_1036 : vector<2048xf32> to vector<2048x1xf32>
    %iota3A = tpu.iota {dimensions = array<i32: 1>} : vector<2048x128xi32>
    %mul3A_1038 = arith.constant 128 : i32
    %mul3A_1039 = vector.broadcast %mul3A_1038 : i32 to vector<2048x128xi32>
    %mul3A_1040 = arith.muli %select_n3A_1035, %mul3A_1039 : vector<2048x128xi32>
    %add3A_1041 = arith.addi %mul3A_1040, %iota3A : vector<2048x128xi32>
    %eq3A = vector.broadcast %broadcast_in_dim3A_1037 : vector<2048x1xf32> to vector<2048x128xf32>
    %eq3A_1042 = arith.cmpf oeq, %min3A_1032, %eq3A : vector<2048x128xf32>
    %jit3A_1043 = arith.constant 16384 : i32
    %broadcast_in_dim3A_1044 = vector.broadcast %jit3A_1043 : i32 to vector<2048x128xi32>
    %select_n3A_1045 = arith.select %eq3A_1042, %add3A_1041, %broadcast_in_dim3A_1044 : vector<2048x128xi1>, vector<2048x128xi32>
    %reduce_min3A_1046 = arith.constant dense<2147483647> : vector<2048xi32>
    %reduce_min3A_1047 = vector.multi_reduction <minsi>, %select_n3A_1045, %reduce_min3A_1046 [1] : vector<2048x128xi32> to vector<2048xi32>
    %swap3A = arith.constant 0 : index
    %swap3A_1048 = vector.load %arg3[%swap3A] : memref<2048xi32, #tpu.memory_space<vmem>>, vector<2048xi32>
    tpu.vector_store %arg3[%swap3A], %reduce_min3A_1047 {strides = array<i32>} : memref<2048xi32, #tpu.memory_space<vmem>>, vector<2048xi32>,
    return
  }
  func.func @transform_0(%arg0: i32) -> (i32, i32) {
    %c0_i32 = arith.constant 0 : i32
    %c0_i32_0 = arith.constant 0 : i32
    return %arg0, %c0_i32 : i32, i32
  }
  func.func @transform_1(%arg0: i32) -> (i32, i32) {
    %c0_i32 = arith.constant 0 : i32
    %c0_i32_0 = arith.constant 0 : i32
    %c0_i32_1 = arith.constant 0 : i32
    return %c0_i32, %c0_i32_0 : i32, i32
  }
  func.func @transform_2(%arg0: i32) -> i32 {
    %c0_i32 = arith.constant 0 : i32
    return %arg0 : i32
  }
}

</mosaic_0001>

<sc_bundles>
// kernel: kernel.4.cloned.1.call-start
scs
__scs_entry_jumppad:
0x0: {  	(pc) =	sbr.rel $0x88, $3  }
0x1: {  	(tag) =	ssettag $0x0;
	lr =	simm.s32 $0x1  }
0x2: {  	[smem:$0x3F9A] =	sst lr;
	_ =	strace $0xD0000000  }
0x3: {  	_ = 	snop  }
0x4: {  	_ = 	snop  }
0x5: {  	_ = 	snop  }
0x6: {  	_ = 	snop  }
0x7: {  	_ = 	snop  }
__scs_overlays_trampoline_lowered:
0x8: {  	[smem:$0x3FA9] =	sst s0  }
0x9: {  	[smem:$0x3FAA] =	sst s1  }
0xa: {  	[smem:$0x3FAB] =	sst s2  }
0xb: {  	[smem:$0x3FAC] =	sst s3  }
0xc: {  	[smem:$0x3FAD] =	sst s4  }
0xd: {  	[smem:$0x3FAE] =	sst s5  }
0xe: {  	[smem:$0x3FAF] =	sst s6  }
0xf: {  	[smem:$0x3FB0] =	sst s7  }
0x10: {  	[smem:$0x3FB1] =	sst s8  }
0x11: {  	[smem:$0x3FB2] =	sst s9;
	s0 =	simm.s32 @!p0 $0x0  }
0x12: {  	s1 =	sld [smem:$0x3F98];
	s0 =	simm.s32 @p0 $0x1  }
0x13: {  	[smem:$0x3FB3] =	sst s0;
	s0 =	simm.s32 @!p1 $0x0  }
0x14: {  	s2 =	sld [smem:$0x3F97];
	s0 =	simm.s32 @p1 $0x1  }
0x15: {  	[smem:$0x3FB4] =	sst s0;
	s0 =	simm.s32 @!p2 $0x0  }
0x16: {  	s3 =	sld [smem:$0x3FDB];
	s0 =	simm.s32 @p2 $0x1  }
0x17: {  	s4 =	simm.s32 $0x1BF5;
	[smem:$0x3FB6] =	sst s0  }
0x18: {  	s0 =	sld [smem:$0x3F99];
	_ =	swait.ge [sflag:s4], $0x0  }
0x19: {  	s7 =	sld [smem:$0x3F9A]  }
0x1a: {  	s8 =	sadd.s32 $0xFFFFE003, lr  }
0x1b: {  	s9 =	sadd.s32 $0xFFFFFEF7, lr;
	s5 =	simm.s32 $0xFFFFFFFF;
	p2 =	slt.u32 s8, $0xFFFFF086  }
0x1c: {  	p1 =	slt.u32 s9, $0xF7A;
	s5 =	simm.s32 @!p2 $0x0  }
0x1d: {  	s5 =	simm.s32 @p1 $0x1;
	p0 =	seq.s32 s7, s2  }
0x1e: {  	s7 =	smul.u32 @!p0 $0xF7A, s2;
	p2 =	seq.s32 @!p0 s5, $0x0  }
0x1f: {  	s9 =	smul.u32 $0xF7A, s1;
	s8 =	simm.s32 @!p0 $0x1BF5;
	p2 =	por !p2, p0  }
0x20: {  	[sflag:s8] =	ssyncset.s32 @!p0 $0xFFFFF086;
	s6 =	sadd.s32 @!p0 s3, s7;
	s7 =	simm.s32 @!p0 $0x108  }
0x21: {  	s3 =	sadd.s32 s3, s9;
	s6 =	sadd.s32 @!p0 $0x88, s6;
	s7 =	simm.s32 @p2 $0x1082  }
0x22: {  	[simem:s7], [sflag:s8] =	dma.local @!p0 [hbm:s6], $0xF7A  }
0x23: {  	s9 =	sor.u32 $0xD0000000, s2;
	s6 =	simm.s32 $0x108;
	_ =	swait.ge @!p0 [sflag:s8], $0x0  }
0x24: {  	s3 =	sadd.s32 $0x88, s3;
	s6 =	simm.s32 @!p1 $0x1082;
	[sflag:s4] =	ssyncset.s32 $0xFFFFF086  }
0x25: {  	[simem:s6], [sflag:s4] =	dma.local [hbm:s3], $0xF7A  }
0x26: {  	[smem:$0x3F9A] =	sst s1;
	(tag) =	ssettag s2;
	_ =	strace s9  }
0x27: {  	s1 =	sld [smem:$0x3FAA]  }
0x28: {  	s2 =	sld [smem:$0x3FAB]  }
0x29: {  	s4 =	sld [smem:$0x3FAD]  }
0x2a: {  	p0 =	seq.s32 s5, $0x0;
	s5 =	sld [smem:$0x3FAE]  }
0x2b: {  	s6 =	sld [smem:$0x3FAF]  }
0x2c: {  	s7 =	sld [smem:$0x3FB0]  }
0x2d: {  	s3 =	simm.s32 $0x108;
	s8 =	sld [smem:$0x3FB1]  }
0x2e: {  	s3 =	simm.s32 @!p0 $0x1082;
	s9 =	sld [smem:$0x3FB2]  }
0x2f: {  	lr =	sadd.s32 s0, s3;
	s0 =	sld [smem:$0x3FA9]  }
0x30: {  	s3 =	sld [smem:$0x3FAC]  }
0x31: {  	[smem:$0x3FB5] =	sst s10  }
0x32: {  	s10 =	sld [smem:$0x3FB3];
	_ =	sdelay $0x3  }
0x33: {  	p0 =	seq.s32 s10, $0x1;
	s10 =	sld [smem:$0x3FB5];
	_ =	sdelay $0x3  }
0x34: {  	[smem:$0x3FB5] =	sst s10  }
0x35: {  	s10 =	sld [smem:$0x3FB4];
	_ =	sdelay $0x3  }
0x36: {  	p1 =	seq.s32 s10, $0x1;
	s10 =	sld [smem:$0x3FB5];
	_ =	sdelay $0x3  }
0x37: {  	[smem:$0x3FB5] =	sst s10  }
0x38: {  	s10 =	sld [smem:$0x3FB6]  }
0x39: {  	_ = 	snop;
	(pc) =	sbr.ind lr, $3  }
0x3a: {  	_ = 	snop  }
0x3b: {  	_ = 	snop  }
0x3c: {  	p2 =	seq.s32 s10, $0x1;
	s10 =	sld [smem:$0x3FB5]  }
0x3d: {  	_ =	shalt  }
0x3e: {  	_ =	shalt  }
0x3f: {  	_ =	shalt  }
0x40: {  	_ =	shalt  }
0x41: {  	_ =	shalt  }
0x42: {  	_ =	shalt  }
0x43: {  	_ =	shalt  }
0x44: {  	_ =	shalt  }
0x45: {  	_ =	shalt  }
0x46: {  	_ =	shalt  }
0x47: {  	_ =	shalt  }
0x48: {  	_ =	shalt  }
0x49: {  	_ =	shalt  }
0x4a: {  	_ =	shalt  }
0x4b: {  	_ =	shalt  }
0x4c: {  	_ =	shalt  }
0x4d: {  	_ =	shalt  }
0x4e: {  	_ =	shalt  }
0x4f: {  	_ =	shalt  }
0x50: {  	_ =	shalt  }
0x51: {  	_ =	shalt  }
0x52: {  	_ =	shalt  }
0x53: {  	_ =	shalt  }
0x54: {  	_ =	shalt  }
0x55: {  	_ =	shalt  }
0x56: {  	_ =	shalt  }
0x57: {  	_ =	shalt  }
0x58: {  	_ =	shalt  }
0x59: {  	_ =	shalt  }
0x5a: {  	_ =	shalt  }
0x5b: {  	_ =	shalt  }
0x5c: {  	_ =	shalt  }
0x5d: {  	_ =	shalt  }
0x5e: {  	_ =	shalt  }
0x5f: {  	_ =	shalt  }
0x60: {  	_ =	shalt  }
0x61: {  	_ =	shalt  }
0x62: {  	_ =	shalt  }
0x63: {  	_ =	shalt  }
0x64: {  	_ =	shalt  }
0x65: {  	_ =	shalt  }
0x66: {  	_ =	shalt  }
0x67: {  	_ =	shalt  }
0x68: {  	_ =	shalt  }
0x69: {  	_ =	shalt  }
0x6a: {  	_ =	shalt  }
0x6b: {  	_ =	shalt  }
0x6c: {  	_ =	shalt  }
0x6d: {  	_ =	shalt  }
0x6e: {  	_ =	shalt  }
0x6f: {  	_ =	shalt  }
0x70: {  	_ =	shalt  }
0x71: {  	_ =	shalt  }
0x72: {  	_ =	shalt  }
0x73: {  	_ =	shalt  }
0x74: {  	_ =	shalt  }
0x75: {  	_ =	shalt  }
0x76: {  	_ =	shalt  }
0x77: {  	_ =	shalt  }
0x78: {  	_ =	shalt  }
0x79: {  	_ =	shalt  }
0x7a: {  	_ =	shalt  }
0x7b: {  	_ =	shalt  }
0x7c: {  	_ =	shalt  }
0x7d: {  	_ =	shalt  }
0x7e: {  	_ =	shalt  }
0x7f: {  	_ =	shalt  }
0x80: {  	_ =	shalt  }
0x81: {  	_ =	shalt  }
0x82: {  	_ =	shalt  }
0x83: {  	_ =	shalt  }
0x84: {  	_ =	shalt  }
0x85: {  	_ =	shalt  }
0x86: {  	_ =	shalt  }
0x87: {  	_ =	shalt  }
.Lfunc_end0:
.L_simem_size_0:
called_computation_lowered:
.L_overlay_start_0:
0x88: {  	s2 =	sld [smem:$0x3FD9]  }
0x89: {  	s3 =	sld [smem:$0x3FFE];
	_ =	sdelay $0x1  }
0x8a: {  	s1 =	srdreg.scid  }
0x8b: {  	s0 =	sand.u32 $0x1, s1  }
0x8c: {  	s28 =	sshll.u32 s0, $0xA;
	s2 =	sadd.s32 s3, s2  }
0x8d: {  	s2 =	sadd.s32 s2, s28  }
0x8e: {  	[smem:$0x3FC1] =	sst s2  }
0x8f: {  	_ = 	snop  }
0x90: {  	s4 =	sld [smem:$0x3FD0]  }
0x91: {  	s5 =	sld [smem:$0x3FC7]  }
0x92: {  	s2 =	sld [smem:$0x3FC4]  }
0x93: {  	s6 =	simm.s32 $0xA;
	s7 =	simm.s32 $0x10;
	s29 =	sld [smem:$0x3FC3]  }
0x94: {  	[smem:s7], [sflag:s6] =	dma.local [hbm:s4], $0x1  }
0x95: {  	_ =	swait.eq [sflag:s6], $0x1  }
0x96: {  	s30 =	sld [smem:$0x10]  }
0x97: {  	s31 =	sld [smem:$0x11]  }
0x98: {  	s8 =	sld [smem:$0x12]  }
0x99: {  	s9 =	sld [smem:$0x13]  }
0x9a: {  	s10 =	sld [smem:$0x14]  }
0x9b: {  	s11 =	sld [smem:$0x15];
	[sflag:s6] =	ssyncset.done $0x0  }
0x9c: {  	s12 =	sld [smem:$0x16];
	[sflag:s6] =	ssyncadd.s32 $0xFFFFFFFF  }
0x9d: {  	s18 =	sld [smem:$0x17];
	(tm) =	ssettm $0x1  }
0x9e: {  	s13 =	sld [smem:$0x3FFB];
	_ =	sdelay $0x3  }
0x9f: {  	_ =	strace s13  }
0xa0: {  	s13 =	sld [smem:$0x3FFC];
	_ =	sdelay $0x3  }
0xa1: {  	_ =	strace s13  }
0xa2: {  	s13 =	sld [smem:$0x3FFD];
	_ =	sdelay $0x3  }
0xa3: {  	_ =	strace s13  }
0xa4: {  	_ =	strace $0x8FFFFFFF  }
0xa5: {  	s19 =	sld [smem:$0x3FDB];
	_ =	sdelay $0x1  }
0xa6: {  	s14 =	simm.s32 $_scs_section_size  }
0xa7: {  	s15 =	simm.s32 $_size__tile_overlayer_lowered;
	s16 =	simm.s32 $_tile_overlayer_lowered  }
0xa8: {  	s22 =	simm.s32 $0x1BFF;
	s21 =	sshll.u32 s16, $0x1;
	s13 =	sadd.s32 s14, s19  }
0xa9: {  	s17 =	simm.s32 $0x0;
	s20 =	sshll.u32 s15, $0x1;
	s15 =	sadd.s32 s21, s13  }
0xaa: {  	[timem:s17], [sflag:s22] =	dma.local [hbm:s15], s20  }
0xab: {  	_ =	swait.ge [sflag:s22], s20  }
0xac: {  	s14 =	ssub.s32 $0x0, s20;
	[sflag:s22] =	ssyncset.done $0x0  }
0xad: {  	[sflag:s22] =	ssyncadd.s32 s14;
	_ =	sdelay $0x1  }
0xae: {  	s23 =	simm.s32 $0x1B8B  }
0xaf: {  	_ =	swait.ge [sflag:s23], $0x1  }
0xb0: {  	[sflag:s23] =	ssyncset.done $0x0  }
0xb1: {  	s25 =	simm.s32 $0x1B8E;
	s24 =	sld [smem:$0x3FFE];
	[sflag:s23] =	ssyncadd.s32 $0xFFFFFFFF  }
0xb2: {  	s26 =	simm.s32 $execute0_lowered;
	[smem:$0x3FD2] =	sst s25  }
0xb3: {  	s15 =	sshll.u32 s26, $0x1;
	_ =	strace $0x80000046;
	[dreg:$0x1] =	wrdreg $0xFFFFFFFF  }
0xb4: {  	s28 =	simm.s32 $_size_execute0_lowered;
	s13 =	sadd.s32 s13, s15;
	[dreg:$0x0] =	wrdreg $0x0  }
0xb5: {  	s15 =	sshll.u32 s28, $0x1;
	[dreg:$0x2] =	wrdreg s13  }
0xb6: {  	[dreg:$0x3] =	wrdreg s15  }
0xb7: {  	[dreg:$0x4] =	wrdreg $0xC0  }
0xb8: {  	_ =	task [dreg:s17], $0x5FFFF  }
0xb9: {  	[dreg:$0x1] =	wrdreg $0xFFFFFFFF  }
0xba: {  	[dreg:$0x0] =	wrdreg $0x60  }
0xbb: {  	[dreg:$0x2] =	wrdreg s24  }
0xbc: {  	[dreg:$0x3] =	wrdreg s5  }
0xbd: {  	[dreg:$0x4] =	wrdreg s9  }
0xbe: {  	[dreg:$0x5] =	wrdreg s10  }
0xbf: {  	[dreg:$0x6] =	wrdreg s31  }
0xc0: {  	[dreg:$0x7] =	wrdreg s8  }
0xc1: {  	[dreg:$0x8] =	wrdreg s2  }
0xc2: {  	[dreg:$0x9] =	wrdreg s29  }
0xc3: {  	[dreg:$0xa] =	wrdreg s30  }
0xc4: {  	[dreg:$0xb] =	wrdreg s12  }
0xc5: {  	[dreg:$0xc] =	wrdreg s18  }
0xc6: {  	[dreg:$0xd] =	wrdreg s11  }
0xc7: {  	[dreg:$0xe] =	wrdreg $0x9  }
0xc8: {  	_ =	task.clear_ibuf [dreg:s17], $0xFFFFF;
	_ =	strace $0x90000046  }
0xc9: {  	s29 =	simm.s32 $0x9;
	_ =	strace $0x80000048  }
0xca: {  	_ =	swait.ge [sflag:s29], $0x1  }
0xcb: {  	[sflag:s29] =	ssyncadd.s32 $0xFFFFFFFF  }
0xcc: {  	_ =	strace $0x90000048  }
0xcd: {  	_ =	sfence  }
0xce: {  	s30 =	sld [smem:$0x0];
	_ =	sdelay $0x2  }
0xcf: {  	s31 =	sshll.u32 s1, $0xD;
	s1 =	sshrl.u32 s1, $0x2  }
0xd0: {  	s3 =	sand.u32 $0x4000, s31;
	s1 =	sadd.s32 s1, s30  }
0xd1: {  	s0 =	sor.u32 s3, s0;
	s1 =	sshll.u32 s1, $0x11  }
0xd2: {  	s0 =	sor.u32 s1, s0  }
0xd3: {  	s0 =	sadd.s32 $0x8F2B, s0  }
0xd4: {  	[sflag:s0] =	ssyncadd.remote.s32 $0x1  }
0xd5: {  	_ =	sfence.sel $0xFFFF  }
0xd6: {  	[dreg:$0x0] =	wrdreg $0xFFFFFFFF;
	(pc) =	sbr.abs _section_cstart, $3  }
0xd7: {  	[dreg:$0x1] =	wrdreg $0xFFFFFFFF  }
0xd8: {  	_ =	task.clear_ibuf [dreg:s17], $0x2FFFF;
	_ =	strace $0x9FFFFFFF  }
0xd9: {  	(tm) =	ssettm $0x7FFFFFFF  }
tec
execute0_lowered:
.L_overlay_start_1:
0x0: {  	(tag) =	ssettag $0x1  }
0x1: {  	s0 =	rddreg [dreg:$0x0]  }
0x2: {  	s1 =	rddreg [dreg:$0x8]  }
0x3: {  	s2 =	rddreg [dreg:$0x9]  }
0x4: {  	s3 =	rddreg [dreg:$0xa]  }
0x5: {  	s4 =	rddreg [dreg:$0xb]  }
0x6: {  	s5 =	srdreg.scid;
	s9 =	simm.s32 $0x0;
	s6 =	stileid.u32  }
0x7: {  	s29 =	simm.s32 $0x2;
	s30 =	simm.s32 $0x200;
	s31 =	simm.s32 $0x300  }
0x8: {  	s12 =	simm.s32 $0x0;
	s5 =	sand.u32 $0x1, s5;
	[smem:$0x7FF] =	sst s9  }
0x9: {  	s6 =	sshll.u32 s6, $0x6;
	s10 =	sadd.s32 $0x2E00, s0;
	s7 =	sshll.u32 s5, $0x5  }
0xa: {  	s11 =	sadd.s32 $0x2600, s0;
	s5 =	ssub.s32 $0x2, s5;
	s6 =	sor.u32 s7, s6  }
0xb: {  	_ =	strace $0x80000047;
	s8 =	sshrl.u32 s5, $0x1;
	s1 =	sadd.s32 s1, s6  }
0xc: {  	s7 =	sadd.s32 s6, s0;
	s26 =	sadd.s32 s2, s6;
	[dreg:$0x10] =	wrdreg s1  }
0xd: {  	s18 =	ssub.s32 s5, s8;
	s19 =	sadd.s32 $0x3600, s7;
	[dreg:$0x15] =	wrdreg s26  }
0xe: {  	s5 =	simm.s32 $0x80;
	s20 =	sadd.s32 $0x2200, s7;
	[dreg:$0xd] =	wrdreg s19  }
0xf: {  	s8 =	simm.s32 $0x100;
	s21 =	sadd.s32 $0x1E00, s7;
	[dreg:$0xe] =	wrdreg s20  }
0x10: {  	s0 =	simm.s32 $0x400;
	s22 =	sadd.s32 $0x3A00, s7;
	[dreg:$0xf] =	wrdreg s21  }
0x11: {  	s2 =	simm.s32 $0x600;
	s23 =	sadd.s32 $0x3E00, s7;
	[dreg:$0x11] =	wrdreg s22  }
0x12: {  	s24 =	sadd.s32 $0x4200, s7;
	s25 =	sadd.s32 $0x4600, s7;
	[dreg:$0x12] =	wrdreg s23  }
0x13: {  	s26 =	sadd.s32 $0x5600, s7;
	s28 =	smax.u32 s18, $0x1;
	[dreg:$0x13] =	wrdreg s24  }
0x14: {  	s1 =	simm.s32 $0x500;
	[dreg:$0x14] =	wrdreg s25;
	s21 =	sadd.s32 s3, s6  }
0x15: {  	s22 =	sadd.s32 s4, s6;
	s23 =	sadd.s32 $0x4A00, s7;
	s24 =	sadd.s32 $0x4E00, s7  }
0x16: {  	s25 =	sadd.s32 $0x5200, s7;
	s3 =	simm.s32 $0x700;
	s4 =	simm.s32 $0x800  }
0x17: {  	s6 =	simm.s32 $0x900;
	s7 =	simm.s32 $0x1;
	s20 =	simm.s32 $0x180  }
.LBB2_1:
0x18: {  	s13 =	rddreg [dreg:$0xd]  }
0x19: {  	[tilespmem:s9], [sflag:$0x2] =	stream.linear.gather [hbm4b:s13+s9], $0x100, $0x38;
	[tilespmem:$0xF00] =	vst v63  }
0x1a: {  	_ =	swait.ge [sflag:s29], $0x100  }
0x1b: {  	[sflag:s29] =	ssyncset.done $0x0  }
0x1c: {  	s14 =	simm.s32 $0xA00;
	s17 =	rddreg [dreg:$0xe];
	[sflag:s29] =	ssyncadd.s32 $0xFFFFFF00  }
0x1d: {  	[tilespmem:s14], [sflag:$0x2] =	stream.linear.gather [hbm4b:s17+s9], $0x100, $0x38;
	[tilespmem:$0xF00] =	vst v63  }
0x1e: {  	_ =	swait.ge [sflag:s29], $0x100  }
0x1f: {  	[sflag:s29] =	ssyncset.done $0x0  }
0x20: {  	s19 =	simm.s32 $0xB00;
	s18 =	rddreg [dreg:$0xf];
	[sflag:s29] =	ssyncadd.s32 $0xFFFFFF00  }
0x21: {  	[tilespmem:s19], [sflag:$0x2] =	stream.linear.gather [hbm4b:s18+s9], $0x100, $0x38;
	[tilespmem:$0xF00] =	vst v63  }
0x22: {  	_ =	swait.ge [sflag:s29], $0x100  }
0x23: {  	[sflag:s29] =	ssyncset.done $0x0  }
0x24: {  	[sflag:s29] =	ssyncadd.s32 $0xFFFFFF00  }
0x25: {  	s13 =	rddreg [dreg:$0x1]  }
0x26: {  	[tilespmem:s8], [sflag:$0x1] =	stream.indirect.gather [hbm4b:s13+s5], $0x1, s9, s5, $0xb8;
	[tilespmem:$0xF00] =	vst v63  }
0x27: {  	s14 =	rddreg [dreg:$0x2]  }
0x28: {  	[tilespmem:s30], [sflag:$0x1] =	stream.indirect.gather [hbm4b:s14+s5], $0x1, s9, s5, $0xb8;
	[tilespmem:$0xF00] =	vst v63  }
0x29: {  	s15 =	rddreg [dreg:$0x3]  }
0x2a: {  	[tilespmem:s31], [sflag:$0x1] =	stream.indirect.gather [hbm4b:s15+s5], $0x1, s9, s5, $0xb8;
	[tilespmem:$0xF00] =	vst v63  }
0x2b: {  	s16 =	rddreg [dreg:$0x4]  }
0x2c: {  	[tilespmem:s0], [sflag:$0x1] =	stream.indirect.gather [hbm4b:s16+s5], $0x1, s9, s5, $0xb8;
	[tilespmem:$0xF00] =	vst v63  }
0x2d: {  	s17 =	rddreg [dreg:$0x5]  }
0x2e: {  	[tilespmem:s1], [sflag:$0x1] =	stream.indirect.gather [hbm4b:s17+s5], $0x1, s9, s5, $0xb8;
	[tilespmem:$0xF00] =	vst v63  }
0x2f: {  	_ = 	snop  }
0x30: {  	[tilespmem:s2], [sflag:$0x1] =	stream.indirect.gather [hbm4b:s10+s5], $0x1, s9, s5, $0xb8;
	[tilespmem:$0xF00] =	vst v63  }
0x31: {  	_ = 	snop  }
0x32: {  	[tilespmem:s3], [sflag:$0x1] =	stream.indirect.gather [hbm4b:s11+s5], $0x1, s9, s5, $0xb8;
	[tilespmem:$0xF00] =	vst v63  }
0x33: {  	s18 =	rddreg [dreg:$0x6]  }
0x34: {  	[tilespmem:s4], [sflag:$0x1] =	stream.indirect.gather [hbm4b:s18+s5], $0x1, s9, s5, $0xb8;
	[tilespmem:$0xF00] =	vst v63  }
0x35: {  	s19 =	rddreg [dreg:$0x7]  }
0x36: {  	[tilespmem:s6], [sflag:$0x1] =	stream.indirect.gather [hbm4b:s19+s5], $0x1, s9, s5, $0xb8;
	[tilespmem:$0xF00] =	vst v63  }
0x37: {  	_ = 	snop  }
0x38: {  	[tilespmem:s20], [sflag:$0x1] =	stream.indirect.gather [hbm4b:s13+s5], $0x1, s5, s5, $0xb8;
	[tilespmem:$0xF00] =	vst v63  }
0x39: {  	s13 =	simm.s32 $0x280  }
0x3a: {  	[tilespmem:s13], [sflag:$0x1] =	stream.indirect.gather [hbm4b:s14+s5], $0x1, s5, s5, $0xb8;
	[tilespmem:$0xF00] =	vst v63  }
0x3b: {  	s14 =	simm.s32 $0x380  }
0x3c: {  	[tilespmem:s14], [sflag:$0x1] =	stream.indirect.gather [hbm4b:s15+s5], $0x1, s5, s5, $0xb8;
	[tilespmem:$0xF00] =	vst v63  }
0x3d: {  	s15 =	simm.s32 $0x480  }
0x3e: {  	[tilespmem:s15], [sflag:$0x1] =	stream.indirect.gather [hbm4b:s16+s5], $0x1, s5, s5, $0xb8;
	[tilespmem:$0xF00] =	vst v63  }
0x3f: {  	s14 =	simm.s32 $0x580  }
0x40: {  	[tilespmem:s14], [sflag:$0x1] =	stream.indirect.gather [hbm4b:s17+s5], $0x1, s5, s5, $0xb8;
	[tilespmem:$0xF00] =	vst v63  }
0x41: {  	s15 =	simm.s32 $0x680  }
0x42: {  	[tilespmem:s15], [sflag:$0x1] =	stream.indirect.gather [hbm4b:s10+s5], $0x1, s5, s5, $0xb8;
	[tilespmem:$0xF00] =	vst v63  }
0x43: {  	s16 =	simm.s32 $0x780  }
0x44: {  	[tilespmem:s16], [sflag:$0x1] =	stream.indirect.gather [hbm4b:s11+s5], $0x1, s5, s5, $0xb8;
	[tilespmem:$0xF00] =	vst v63  }
0x45: {  	s17 =	simm.s32 $0x880  }
0x46: {  	[tilespmem:s17], [sflag:$0x1] =	stream.indirect.gather [hbm4b:s18+s5], $0x1, s5, s5, $0xb8;
	[tilespmem:$0xF00] =	vst v63  }
0x47: {  	s18 =	simm.s32 $0x980  }
0x48: {  	[tilespmem:s18], [sflag:$0x1] =	stream.indirect.gather [hbm4b:s19+s5], $0x1, s5, s5, $0xb8;
	[tilespmem:$0xF00] =	vst v63  }
0x49: {  	_ =	swait.ge [sflag:s7], $0x80  }
0x4a: {  	[sflag:s7] =	ssyncset.done $0x0  }
0x4b: {  	[sflag:s7] =	ssyncadd.s32 $0xFFFFFF80  }
0x4c: {  	_ =	swait.ge [sflag:s7], $0x80  }
0x4d: {  	[sflag:s7] =	ssyncset.done $0x0  }
0x4e: {  	[sflag:s7] =	ssyncadd.s32 $0xFFFFFF80  }
0x4f: {  	_ =	swait.ge [sflag:s7], $0x80  }
0x50: {  	[sflag:s7] =	ssyncset.done $0x0  }
0x51: {  	[sflag:s7] =	ssyncadd.s32 $0xFFFFFF80  }
0x52: {  	_ =	swait.ge [sflag:s7], $0x80  }
0x53: {  	[sflag:s7] =	ssyncset.done $0x0  }
0x54: {  	[sflag:s7] =	ssyncadd.s32 $0xFFFFFF80  }
0x55: {  	_ =	swait.ge [sflag:s7], $0x80  }
0x56: {  	[sflag:s7] =	ssyncset.done $0x0  }
0x57: {  	[sflag:s7] =	ssyncadd.s32 $0xFFFFFF80  }
0x58: {  	_ =	swait.ge [sflag:s7], $0x80  }
0x59: {  	[sflag:s7] =	ssyncset.done $0x0  }
0x5a: {  	[sflag:s7] =	ssyncadd.s32 $0xFFFFFF80  }
0x5b: {  	_ =	swait.ge [sflag:s7], $0x80  }
0x5c: {  	[sflag:s7] =	ssyncset.done $0x0  }
0x5d: {  	[sflag:s7] =	ssyncadd.s32 $0xFFFFFF80  }
0x5e: {  	_ =	swait.ge [sflag:s7], $0x80  }
0x5f: {  	[sflag:s7] =	ssyncset.done $0x0  }
0x60: {  	[sflag:s7] =	ssyncadd.s32 $0xFFFFFF80  }
0x61: {  	_ =	swait.ge [sflag:s7], $0x80  }
0x62: {  	[sflag:s7] =	ssyncset.done $0x0  }
0x63: {  	[sflag:s7] =	ssyncadd.s32 $0xFFFFFF80  }
0x64: {  	_ =	swait.ge [sflag:s7], $0x80  }
0x65: {  	[sflag:s7] =	ssyncset.done $0x0  }
0x66: {  	[sflag:s7] =	ssyncadd.s32 $0xFFFFFF80  }
0x67: {  	_ =	swait.ge [sflag:s7], $0x80  }
0x68: {  	[sflag:s7] =	ssyncset.done $0x0  }
0x69: {  	[sflag:s7] =	ssyncadd.s32 $0xFFFFFF80  }
0x6a: {  	_ =	swait.ge [sflag:s7], $0x80  }
0x6b: {  	[sflag:s7] =	ssyncset.done $0x0  }
0x6c: {  	[sflag:s7] =	ssyncadd.s32 $0xFFFFFF80  }
0x6d: {  	_ =	swait.ge [sflag:s7], $0x80  }
0x6e: {  	[sflag:s7] =	ssyncset.done $0x0  }
0x6f: {  	[sflag:s7] =	ssyncadd.s32 $0xFFFFFF80  }
0x70: {  	_ =	swait.ge [sflag:s7], $0x80  }
0x71: {  	[sflag:s7] =	ssyncset.done $0x0  }
0x72: {  	[sflag:s7] =	ssyncadd.s32 $0xFFFFFF80  }
0x73: {  	_ =	swait.ge [sflag:s7], $0x80  }
0x74: {  	[sflag:s7] =	ssyncset.done $0x0  }
0x75: {  	[sflag:s7] =	ssyncadd.s32 $0xFFFFFF80  }
0x76: {  	_ =	swait.ge [sflag:s7], $0x80  }
0x77: {  	[sflag:s7] =	ssyncset.done $0x0  }
0x78: {  	[sflag:s7] =	ssyncadd.s32 $0xFFFFFF80  }
0x79: {  	_ =	swait.ge [sflag:s7], $0x80  }
0x7a: {  	[sflag:s7] =	ssyncset.done $0x0  }
0x7b: {  	[sflag:s7] =	ssyncadd.s32 $0xFFFFFF80  }
0x7c: {  	_ =	swait.ge [sflag:s7], $0x80  }
0x7d: {  	[sflag:s7] =	ssyncset.done $0x0  }
0x7e: {  	s13 =	simm.s32 $0x0;
	[sflag:s7] =	ssyncadd.s32 $0xFFFFFF80  }
0x7f: {  	v3 =	vld [tilespmem:s13+$0xA00]  }
0x80: {  	v4 =	vld [tilespmem:s13+$0x200]  }
0x81: {  	v5 =	vld [tilespmem:s13+$0xB00]  }
0x82: {  	v6 =	vld [tilespmem:s13+$0x300]  }
0x83: {  	v7 =	vld [tilespmem:s13+$0x600]  }
0x84: {  	s14 =	simm.s32 $0x10;
	v8 =	vld [tilespmem:s13+$0x700]  }
0x85: {  	v0 =	vld [tilespmem:s14+$0xA00]  }
0x86: {  	v2 =	vld [tilespmem:s14+$0x200]  }
0x87: {  	v1 =	vld [tilespmem:s14+$0xB00];
	v9 =	vsub.f32 v3, v4;
	v5 =	vsub.f32 v5, v6  }
0x88: {  	v4 =	vld [tilespmem:s14+$0x300]  }
0x89: {  	s15 =	simm.s32 $0x80;
	v3 =	vld [tilespmem:s14+$0x600];
	v6 =	vmul.f32 v7, v9;
	v7 =	vmul.f32 v8, v5;
	[tilespmem:s13+$0xC00] =	vst v9  }
.LBB2_2:
0x8a: {  	s16 =	sshra.s32 s15, $0x2;
	v8 =	vld [tilespmem:s14+$0x700];
	[tilespmem:s13+$0xD00] =	vst v5;
	v5 =	vmov v0;
	p0 =	sne.s32 s15, $0x3C0  }
.Ltmp0:
0x8b: {  	v0 =	vld [tilespmem:s16+$0xA00];
	v6 =	vadd.f32 v7, v6;
	v7 =	vmov v2;
	(pc) =	sbr.rel @p0 .LBB2_2-.Ltmp0, $4  }
0x8c: {  	v2 =	vld [tilespmem:s16+$0x200]  }
0x8d: {  	s15 =	sadd.s32 $0x40, s15;
	v9 =	vsub.f32 v5, v7;
	v5 =	vsub.f32 v1, v4;
	v1 =	vld [tilespmem:s16+$0xB00];
	[tilespmem:s13+$0xE00] =	vst v6;
	s13 =	smov.u32 s14  }
0x8e: {  	s14 =	smov.u32 s16;
	v4 =	vld [tilespmem:s16+$0x300]  }
0x8f: {  	v6 =	vmul.f32 v3, v9;
	v3 =	vld [tilespmem:s14+$0x600];
	v7 =	vmul.f32 v8, v5;
	[tilespmem:s13+$0xC00] =	vst v9  }
0x90: {  	v8 =	vld [tilespmem:s14+$0x700];
	_ =	sdelay $0x2  }
0x91: {  	v0 =	vsub.f32 v0, v2;
	v1 =	vsub.f32 v1, v4  }
0x92: {  	v62 =	vadd.f32 v7, v6  }
0x93: {  	[tilespmem:s13+$0xD00] =	vst v5;
	v3 =	vmul.f32 v3, v0;
	v4 =	vmul.f32 v8, v1  }
0x94: {  	[tilespmem:s13+$0xE00] =	vst v62  }
0x95: {  	[tilespmem:s14+$0xC00] =	vst v0;
	v63 =	vadd.f32 v4, v3  }
0x96: {  	[tilespmem:s14+$0xD00] =	vst v1  }
0x97: {  	s17 =	rddreg [dreg:$0x10];
	[tilespmem:s14+$0xE00] =	vst v63  }
0x98: {  	[hbm4b:s17+s9] =	stream.linear.scatter [tilespmem:s8], [sflag:$0x2], $0x100, $0x38;
	[tilespmem:$0xF00] =	vst v63  }
0x99: {  	_ =	swait.ge [sflag:s29], $0x100  }
0x9a: {  	[sflag:s29] =	ssyncset.done $0x0  }
0x9b: {  	s18 =	rddreg [dreg:$0x11];
	[sflag:s29] =	ssyncadd.s32 $0xFFFFFF00  }
0x9c: {  	[hbm4b:s18+s9] =	stream.linear.scatter [tilespmem:s30], [sflag:$0x2], $0x100, $0x38;
	[tilespmem:$0xF00] =	vst v63  }
0x9d: {  	_ =	swait.ge [sflag:s29], $0x100  }
0x9e: {  	[sflag:s29] =	ssyncset.done $0x0  }
0x9f: {  	s19 =	rddreg [dreg:$0x12];
	[sflag:s29] =	ssyncadd.s32 $0xFFFFFF00  }
0xa0: {  	[hbm4b:s19+s9] =	stream.linear.scatter [tilespmem:s31], [sflag:$0x2], $0x100, $0x38;
	[tilespmem:$0xF00] =	vst v63  }
0xa1: {  	_ =	swait.ge [sflag:s29], $0x100  }
0xa2: {  	[sflag:s29] =	ssyncset.done $0x0  }
0xa3: {  	s14 =	rddreg [dreg:$0x13];
	[sflag:s29] =	ssyncadd.s32 $0xFFFFFF00  }
0xa4: {  	[hbm4b:s14+s9] =	stream.linear.scatter [tilespmem:s0], [sflag:$0x2], $0x100, $0x38;
	[tilespmem:$0xF00] =	vst v63  }
0xa5: {  	_ =	swait.ge [sflag:s29], $0x100  }
0xa6: {  	[sflag:s29] =	ssyncset.done $0x0  }
0xa7: {  	s15 =	rddreg [dreg:$0x14];
	[sflag:s29] =	ssyncadd.s32 $0xFFFFFF00  }
0xa8: {  	[hbm4b:s15+s9] =	stream.linear.scatter [tilespmem:s1], [sflag:$0x2], $0x100, $0x38;
	[tilespmem:$0xF00] =	vst v63  }
0xa9: {  	_ =	swait.ge [sflag:s29], $0x100  }
0xaa: {  	[sflag:s29] =	ssyncset.done $0x0  }
0xab: {  	[sflag:s29] =	ssyncadd.s32 $0xFFFFFF00  }
0xac: {  	[hbm4b:s23+s9] =	stream.linear.scatter [tilespmem:s2], [sflag:$0x2], $0x100, $0x38;
	[tilespmem:$0xF00] =	vst v63  }
0xad: {  	_ =	swait.ge [sflag:s29], $0x100  }
0xae: {  	[sflag:s29] =	ssyncset.done $0x0  }
0xaf: {  	[sflag:s29] =	ssyncadd.s32 $0xFFFFFF00  }
0xb0: {  	[hbm4b:s24+s9] =	stream.linear.scatter [tilespmem:s3], [sflag:$0x2], $0x100, $0x38;
	[tilespmem:$0xF00] =	vst v63  }
0xb1: {  	_ =	swait.ge [sflag:s29], $0x100  }
0xb2: {  	[sflag:s29] =	ssyncset.done $0x0  }
0xb3: {  	s16 =	rddreg [dreg:$0x15];
	[sflag:s29] =	ssyncadd.s32 $0xFFFFFF00  }
0xb4: {  	[hbm4b:s16+s9] =	stream.linear.scatter [tilespmem:s4], [sflag:$0x2], $0x100, $0x38;
	[tilespmem:$0xF00] =	vst v63  }
0xb5: {  	_ =	swait.ge [sflag:s29], $0x100  }
0xb6: {  	[sflag:s29] =	ssyncset.done $0x0  }
0xb7: {  	[sflag:s29] =	ssyncadd.s32 $0xFFFFFF00  }
0xb8: {  	[hbm4b:s21+s9] =	stream.linear.scatter [tilespmem:s6], [sflag:$0x2], $0x100, $0x38;
	[tilespmem:$0xF00] =	vst v63  }
0xb9: {  	_ =	swait.ge [sflag:s29], $0x100  }
0xba: {  	[sflag:s29] =	ssyncset.done $0x0  }
0xbb: {  	s17 =	simm.s32 $0xC00;
	[sflag:s29] =	ssyncadd.s32 $0xFFFFFF00  }
0xbc: {  	[hbm4b:s25+s9] =	stream.linear.scatter [tilespmem:s17], [sflag:$0x2], $0x100, $0x38;
	[tilespmem:$0xF00] =	vst v63  }
0xbd: {  	_ =	swait.ge [sflag:s29], $0x100  }
0xbe: {  	[sflag:s29] =	ssyncset.done $0x0  }
0xbf: {  	s18 =	simm.s32 $0xD00;
	[sflag:s29] =	ssyncadd.s32 $0xFFFFFF00  }
0xc0: {  	[hbm4b:s26+s9] =	stream.linear.scatter [tilespmem:s18], [sflag:$0x2], $0x100, $0x38;
	[tilespmem:$0xF00] =	vst v63  }
0xc1: {  	s12 =	sadd.s32 $0x1, s12;
	_ =	swait.ge [sflag:s29], $0x100  }
0xc2: {  	p0 =	sne.s32 s12, s28;
	[sflag:s29] =	ssyncset.done $0x0  }
.Ltmp1:
0xc3: {  	s19 =	simm.s32 $0xE00;
	[sflag:s29] =	ssyncadd.s32 $0xFFFFFF00;
	(pc) =	sbr.rel @p0 .LBB2_1-.Ltmp1, $4  }
0xc4: {  	[hbm4b:s22+s9] =	stream.linear.scatter [tilespmem:s19], [sflag:$0x2], $0x100, $0x38;
	[tilespmem:$0xF00] =	vst v63  }
0xc5: {  	_ =	swait.ge [sflag:s29], $0x100  }
0xc6: {  	[sflag:s29] =	ssyncset.done $0x0  }
0xc7: {  	[sflag:s29] =	ssyncadd.s32 $0xFFFFFF00  }
0xc8: {  	_ =	sfence.sel $0x180000  }
0xc9: {  	[bflag:$0x0] =	sbarrier.arrive $0xFFFF  }
0xca: {  	_ =	strace $0x90000047  }
0xcb: {  	s0 =	stileid.u32;
	[bflag:$0x2] =	sbarrier.arrive $0xFFFF  }
0xcc: {  	p0 =	sne.s32 s0, $0x0;
	s0 =	rddreg [dreg:$0xc]  }
0xcd: {  	s0 =	sadd.s32 @!p0 $0x100000, s0  }
0xce: {  	[sflag:s0] =	ssyncadd.tile.s32 @!p0 $0x1;
	_ =	shalt  }
.Lfunc_end2:
_tile_overlayer_lowered:
.L_overlay_start_2:
0xcf: {  	(tag) =	ssettag $0x2  }
0xd0: {  	s0 =	rddreg [dreg:$0x0];
	s2 =	stileid.u32  }
0xd1: {  	s1 =	rddreg [dreg:$0x1];
	p0 =	sne.s32 s2, $0x0  }
0xd2: {  	s3 =	rddreg [dreg:$0x2];
	[bflag:$0x3] =	sbarrier.arrive $0xFFFF;
	s2 =	simm.s32 @!p0 $0x1C02  }
0xd3: {  	[timem:s3], [sflag:s2] =	dma.local @!p0 [hbm:s0], s1  }
0xd4: {  	s0 =	simm.s32 @!p0 $0x2  }
0xd5: {  	_ =	swait.ge @!p0 [sflag:s0], s1  }
0xd6: {  	s1 =	ssub.s32 @!p0 $0x0, s1;
	[sflag:s0] =	ssyncset.done @!p0 $0x0  }
0xd7: {  	[sflag:s0] =	ssyncadd.s32 @!p0 s1  }
0xd8: {  	[bflag:$0x3] =	sbarrier.arrive $0xFFFF  }
0xd9: {  	_ =	shalt  }

</sc_bundles>
